<compile_context>
chip_gen: v7x
topology: tpu7x:2x2x1
jax: 0.10.2.dev20260603
libtpu: 0.0.44.dev20260713+nightly
codegen_flags: <defaults>
</compile_context>

<pallas_src>
import functools

import jax
import jax.numpy as jnp
from jax import lax
from jax.experimental import pallas as pl
from jax.experimental.pallas import tpu as pltpu
from jax.experimental.pallas import tpu_sc as plsc

NC = 2
NS = 16
K = 128



def _sc_agg_body(nchunk, ce, rt, *refs):
    (table, src_h, dst_h, zrow_h, acc_o, src_v, dst_v, rows_v, acc_sh,
     sem) = refs
    c = lax.axis_index("c")
    s = lax.axis_index("s")
    npad = rt * NS

    pltpu.sync_copy(zrow_h, rows_v)
    for r in range(rt // K):
        pltpu.sync_copy(rows_v, acc_sh.at[pl.ds(s * rt + r * K, K)])
    plsc.subcore_barrier()

    base0 = (c * NS + s) * ce

    def chunk(j, carry):
        base = base0 + j * K
        pltpu.sync_copy(src_h.at[pl.ds(base, K)], src_v)
        pltpu.sync_copy(dst_h.at[pl.ds(base, K)], dst_v)
        pltpu.async_copy(table.at[src_v], rows_v, sem).wait()
        pltpu.sync_copy(rows_v, acc_sh.at[dst_v], add=True)
        return carry

    lax.fori_loop(0, nchunk, chunk, 0)
    plsc.subcore_barrier()

    for r in range(rt // K):
        pltpu.sync_copy(acc_sh.at[pl.ds(s * rt + r * K, K)], rows_v)
        pltpu.sync_copy(rows_v, acc_o.at[pl.ds(c * npad + s * rt + r * K, K)])


def _sc_cnt_body(nchunk, ce, rt, *refs):
    (dst_h, ones_h, cnt_o, dst_v, ones_v, buf_v, cnt_sh) = refs
    c = lax.axis_index("c")
    s = lax.axis_index("s")
    npad = rt * NS

    pltpu.sync_copy(ones_h.at[pl.ds(K, K)], buf_v)
    for r in range(rt // K):
        pltpu.sync_copy(buf_v, cnt_sh.at[pl.ds(s * rt + r * K, K)])
    pltpu.sync_copy(ones_h.at[pl.ds(0, K)], ones_v)
    plsc.subcore_barrier()

    base0 = (c * NS + s) * ce

    def chunk(j, carry):
        base = base0 + j * K
        pltpu.sync_copy(dst_h.at[pl.ds(base, K)], dst_v)
        pltpu.sync_copy(ones_v, cnt_sh.at[dst_v], add=True)
        return carry

    lax.fori_loop(0, nchunk, chunk, 0)
    plsc.subcore_barrier()

    for r in range(rt // K):
        pltpu.sync_copy(cnt_sh.at[pl.ds(s * rt + r * K, K)], buf_v)
        pltpu.sync_copy(buf_v, cnt_o.at[pl.ds(c * npad + s * rt + r * K, K)])


def _make_sc_cnt(npad, epad, d):
    nw = NC * NS
    ce = epad // nw
    nchunk = ce // K
    rt = npad // NS
    mesh = plsc.VectorSubcoreMesh(core_axis_name="c", subcore_axis_name="s",
                                  num_cores=NC, num_subcores=NS)
    return pl.kernel(
        functools.partial(_sc_cnt_body, nchunk, ce, rt),
        out_type=[jax.ShapeDtypeStruct((NC * npad, d), jnp.float32)],
        mesh=mesh,
        scratch_types=[
            pltpu.VMEM((K,), jnp.int32),
            pltpu.VMEM((K, d), jnp.float32),
            pltpu.VMEM((K, d), jnp.float32),
            pltpu.VMEM_SHARED((npad, d), jnp.float32),
        ],
        name="sc_edge_cnt")


def _make_sc_agg(npad, d, epad):
    nw = NC * NS
    ce = epad // nw
    nchunk = ce // K
    rt = npad // NS
    mesh = plsc.VectorSubcoreMesh(core_axis_name="c", subcore_axis_name="s",
                                  num_cores=NC, num_subcores=NS)
    return pl.kernel(
        functools.partial(_sc_agg_body, nchunk, ce, rt),
        out_type=[jax.ShapeDtypeStruct((NC * npad, d), jnp.float32)],
        mesh=mesh,
        scratch_types=[
            pltpu.VMEM((K,), jnp.int32),
            pltpu.VMEM((K,), jnp.int32),
            pltpu.VMEM((K, d), jnp.float32),
            pltpu.VMEM_SHARED((npad, d), jnp.float32),
            pltpu.SemaphoreType.DMA,
        ],
        name="sc_edge_agg")



def _tc_layer0_body(x, accA, accB, cntA, cntB, WlT, bl, WrT, gamma, beta, out):
    cnt = jnp.maximum(cntA[:, 0:1] + cntB[:, 0:1], 1.0)
    agg = (accA[...] + accB[...]) / cnt
    h = (jnp.dot(agg, WlT[...], preferred_element_type=jnp.float32)
         + bl[...]
         + jnp.dot(x[...], WrT[...], preferred_element_type=jnp.float32))
    h = jnp.maximum(h, 0.0)
    m = jnp.mean(h, axis=0, keepdims=True)
    v = jnp.mean((h - m) * (h - m), axis=0, keepdims=True)
    out[...] = (h - m) * lax.rsqrt(v + 1e-5) * gamma[...] + beta[...]


def _tc_layer1_body(g, h0, accA, accB, cntA, cntB, WlT, bl, WrT,
                    batch_row, batch_col, y, WgmT, WgxT, bg, pb, pm, out):
    n = h0.shape[0]
    cnt = jnp.maximum(cntA[:, 0:1] + cntB[:, 0:1], 1.0)
    agg = (accA[...] + accB[...]) / cnt
    h1 = (jnp.dot(agg, WlT[...], preferred_element_type=jnp.float32)
          + bl[...]
          + jnp.dot(h0[...], WrT[...], preferred_element_type=jnp.float32))
    h1 = jnp.maximum(h1, 0.0)

    gid = lax.broadcasted_iota(jnp.int32, (g, n), 0)
    onehot = (batch_row[...] == gid).astype(jnp.float32)
    ssum = jnp.dot(onehot, h1, preferred_element_type=jnp.float32)
    cntb = jnp.sum(onehot, axis=1, keepdims=True)
    meanp = ssum / jnp.maximum(cntb, 1.0)

    giota = lax.broadcasted_iota(jnp.int32, (g, 1), 0)
    bcol = batch_col[...]

    def mbody(gi, acc):
        vals = jnp.where(bcol == gi, h1, -1.0)
        mg = jnp.max(vals, axis=0, keepdims=True)
        return jnp.where(giota == gi, mg, acc)

    maxp = lax.fori_loop(0, g, mbody, jnp.full((g, h0.shape[1]), -1.0,
                                               dtype=jnp.float32))
    maxp = jnp.maximum(maxp, 0.0)

    rep = (jnp.dot(meanp, WgmT[...], preferred_element_type=jnp.float32)
           + jnp.dot(maxp, WgxT[...], preferred_element_type=jnp.float32)
           + bg[...])
    nrm = jnp.sqrt(jnp.sum(rep * rep, axis=1, keepdims=True))
    feat = rep / jnp.maximum(nrm, 1e-12)
    pbv = pb[...]
    pmv = pm[...]
    pbn = pbv / jnp.maximum(jnp.sqrt(jnp.sum(pbv * pbv)), 1e-12)
    pmn = pmv / jnp.maximum(jnp.sqrt(jnp.sum(pmv * pmv)), 1e-12)
    cos_b = jnp.sum(feat * pbn, axis=1, keepdims=True)
    cos_m = jnp.sum(feat * pmn, axis=1, keepdims=True)
    yv = y[...]
    cb = jnp.where(yv == 1, cos_b * cos_b, (1.0 - cos_b) * (1.0 - cos_b))
    cm = jnp.where(yv == 0, cos_m * cos_m, (1.0 - cos_m) * (1.0 - cos_m))
    out[...] = jnp.sum(cb + cm, keepdims=True)



def kernel(x, edge_index, batch, y, Wl0, bl0, Wr0, Wl1, bl1, Wr1,
           gamma0, beta0, Wg, bg, pb, pm):
    n, d = x.shape
    e = edge_index.shape[1]
    g = y.shape[0]
    hid = Wl0.shape[0]

    npad = -(-(n + 1) // (NS * K)) * (NS * K)
    nw = NC * NS
    epad = ((e + nw * K - 1) // (nw * K)) * (nw * K)

    src = edge_index[0]
    dst = edge_index[1]
    pad = epad - e
    if pad:
        pr = jnp.arange(pad, dtype=jnp.int32)
        src = jnp.concatenate([src, pr % n])
        dst = jnp.concatenate([dst, n + pr % (npad - n)])

    zrow = jnp.zeros((K, hid), jnp.float32)
    ones_zeros = jnp.concatenate([jnp.ones((K, hid), jnp.float32),
                                  jnp.zeros((K, hid), jnp.float32)], axis=0)

    (acc0,) = _make_sc_agg(npad, d, epad)(x, src, dst, zrow)
    accA, accB = acc0[:n], acc0[npad:npad + n]
    (cnt0,) = _make_sc_cnt(npad, epad, 32)(dst, ones_zeros[:, :32])
    cntA, cntB = cnt0[:n, :16], cnt0[npad:npad + n, :16]

    h0 = pl.pallas_call(
        _tc_layer0_body,
        out_shape=jax.ShapeDtypeStruct((n, hid), jnp.float32),
        name="tc_layer0",
    )(x, accA, accB, cntA, cntB, Wl0.T, bl0.reshape(1, hid), Wr0.T,
      gamma0.reshape(1, hid), beta0.reshape(1, hid))

    (acc1,) = _make_sc_agg(npad, hid, epad)(h0, src, dst, zrow)

    loss = pl.pallas_call(
        functools.partial(_tc_layer1_body, g),
        out_shape=jax.ShapeDtypeStruct((1, 1), jnp.float32),
        name="tc_layer1_pool_loss",
    )(h0, acc1[:n], acc1[npad:npad + n], cntA, cntB, Wl1.T,
      bl1.reshape(1, hid), Wr1.T, batch.reshape(1, n), batch.reshape(n, 1),
      y.reshape(g, 1), Wg[:, :hid].T, Wg[:, hid:].T, bg.reshape(1, hid),
      pb, pm)

    return loss.reshape(())

# --- scband reference (transcript-rebuilt; emitter-appended) ---
"""Pipeline reference for scband-gnn-v2-18348100289075 (READ-ONLY COPY).

The authoritative reference and input builder live on the scoring server;
editing this copy changes nothing except your own understanding.
"""

import jax, jax.numpy as jnp
import numpy as np

N_NODES = 10000
N_EDGES = 320000
D_IN = 128
HID = 128
N_GRAPHS = 64


def setup_inputs(seed: int = 0) -> dict:
    key = jax.random.key(seed)
    ks = jax.random.split(key, 12)
    x = jax.random.normal(ks[0], (N_NODES, D_IN), dtype=jnp.float32)
    edge_index = jax.random.randint(ks[1], (2, N_EDGES), 0, N_NODES, dtype=jnp.int32)
    batch = jnp.sort(jax.random.randint(ks[2], (N_NODES,), 0, N_GRAPHS, dtype=jnp.int32))
    y = jax.random.randint(ks[3], (N_GRAPHS,), 0, 2, dtype=jnp.int32)
    s0 = 1.0 / np.sqrt(D_IN)
    Wl0 = jax.random.uniform(ks[4], (HID, D_IN), minval=-s0, maxval=s0, dtype=jnp.float32)
    bl0 = jnp.zeros((HID,), jnp.float32)
    Wr0 = jax.random.uniform(ks[5], (HID, D_IN), minval=-s0, maxval=s0, dtype=jnp.float32)
    s1 = 1.0 / np.sqrt(HID)
    Wl1 = jax.random.uniform(ks[6], (HID, HID), minval=-s1, maxval=s1, dtype=jnp.float32)
    bl1 = jnp.zeros((HID,), jnp.float32)
    Wr1 = jax.random.uniform(ks[7], (HID, HID), minval=-s1, maxval=s1, dtype=jnp.float32)
    gamma0 = jnp.ones((HID,), jnp.float32)
    beta0 = jnp.zeros((HID,), jnp.float32)
    sg = 1.0 / np.sqrt(2 * HID)
    Wg = jax.random.uniform(ks[8], (HID, 2 * HID), minval=-sg, maxval=sg, dtype=jnp.float32)
    bg = jnp.zeros((HID,), jnp.float32)
    pb = jax.random.normal(ks[9], (1, HID), dtype=jnp.float32) * 0.1
    pm = jax.random.normal(ks[10], (1, HID), dtype=jnp.float32) * 0.1
    return {"x": x, "edge_index": edge_index, "batch": batch, "y": y,
            "Wl0": Wl0, "bl0": bl0, "Wr0": Wr0, "Wl1": Wl1, "bl1": bl1, "Wr1": Wr1,
            "gamma0": gamma0, "beta0": beta0, "Wg": Wg, "bg": bg, "pb": pb, "pm": pm}


def _sage(h, src, dst, Wl, bl, Wr, n):
    # PyG SAGEConv with mean aggregation: lin_l(mean_agg(x_src -> dst)) + lin_r(x)
    msgs = jnp.take(h, src, axis=0)
    agg_sum = jax.ops.segment_sum(msgs, dst, num_segments=n)
    cnt = jax.ops.segment_sum(jnp.ones((src.shape[0],), jnp.float32), dst, num_segments=n)
    agg = agg_sum / jnp.maximum(cnt, 1.0)[:, None]
    return agg @ Wl.T + bl + h @ Wr.T


def reference(x, edge_index, batch, y, Wl0, bl0, Wr0, Wl1, bl1, Wr1, gamma0, beta0, Wg, bg, pb, pm):
    n = x.shape[0]
    src = edge_index[0]
    dst = edge_index[1]
    # layer 0
    h = _sage(x, src, dst, Wl0, bl0, Wr0, n)
    h = jax.nn.relu(h)
    # dropout_ratio = 0.0 -> identity
    m = jnp.mean(h, axis=0)
    v = jnp.var(h, axis=0)
    h = (h - m) / jnp.sqrt(v + 1e-5) * gamma0 + beta0
    # layer 1 (last: no batch norm)
    h = _sage(h, src, dst, Wl1, bl1, Wr1, n)
    h = jax.nn.relu(h)
    node_x = h  # JK == 'last'
    g = y.shape[0]
    ssum = jax.ops.segment_sum(node_x, batch, num_segments=g)
    cnt = jax.ops.segment_sum(jnp.ones((n,), jnp.float32), batch, num_segments=g)
    meanp = ssum / jnp.maximum(cnt, 1.0)[:, None]
    maxp = jax.ops.segment_max(node_x, batch, num_segments=g)
    maxp = jnp.where(jnp.isfinite(maxp), maxp, 0.0)
    graph_x = jnp.concatenate([meanp, maxp], axis=1)
    rep = graph_x @ Wg.T + bg
    feat = rep / jnp.maximum(jnp.linalg.norm(rep, axis=1, keepdims=True), 1e-12)
    pbn = pb / jnp.maximum(jnp.linalg.norm(pb, axis=1, keepdims=True), 1e-12)
    pmn = pm / jnp.maximum(jnp.linalg.norm(pm, axis=1, keepdims=True), 1e-12)
    cos_b = jnp.sum(feat * pbn, axis=1)
    cos_m = jnp.sum(feat * pmn, axis=1)
    cb = jnp.where(y == 1, jnp.square(cos_b), jnp.square(1.0 - cos_b))
    cm = jnp.where(y == 0, jnp.square(cos_m), jnp.square(1.0 - cos_m))
    cl_loss = jnp.sum(cb) + jnp.sum(cm)
    return cl_loss

if __name__ == "__main__":
    import jax
    _d = setup_inputs()
    print(jax.jit(kernel)(*tuple(_d.values())))

</pallas_src>

<mosaic_0001>
#map = affine_map<(d0, d1) -> (0, 0)>
#map1 = affine_map<(d0, d1) -> (0)>
module attributes {stable_mosaic.version = 14 : i64} {
  func.func @sc_edge_agg(%arg0: i32, %arg1: i32, %arg2: memref<10000x128xf32, #tpu.memory_space<hbm>>, %arg3: memref<323584xi32, #tpu.memory_space<hbm>>, %arg4: memref<323584xi32, #tpu.memory_space<hbm>>, %arg5: memref<128x128xf32, #tpu.memory_space<hbm>>, %arg6: memref<20480x128xf32, #tpu.memory_space<hbm>>, %arg7: memref<128xi32, #tpu.memory_space<vmem>>, %arg8: memref<128xi32, #tpu.memory_space<vmem>>, %arg9: memref<128x128xf32, #tpu.memory_space<vmem>>, %arg10: memref<10240x128xf32, #tpu.memory_space<vmem_shared>>, %arg11: memref<!tpu.dma_semaphore, #tpu.memory_space<semaphore_mem>>) attributes {dimension_semantics = [#tpu.dimension_semantics<core_parallel>, #tpu.dimension_semantics<subcore_parallel>], iteration_bounds = array<i64: 2, 16>, scalar_prefetch = 0 : i64, scratch_operands = 5 : i64, tpu.core_type = #tpu.core_type<sc_vector_subcore>, window_params = [{transform_indices = #map}, {transform_indices = #map1}, {transform_indices = #map1}, {transform_indices = #map}, {transform_indices = #map}]} {
    "tpu.region"() ({
      %run_scoped3A = tpu.sem_alloc : memref<!tpu.dma_semaphore, #tpu.memory_space<semaphore_mem>>
      tpu.enqueue_dma source(%arg5 : memref<128x128xf32, #tpu.memory_space<hbm>>) target(%arg9 : memref<128x128xf32, #tpu.memory_space<vmem>>) target_semaphore(%run_scoped3A : memref<!tpu.dma_semaphore, #tpu.memory_space<semaphore_mem>>)
      tpu.wait_dma2 semaphore(%run_scoped3A : memref<!tpu.dma_semaphore, #tpu.memory_space<semaphore_mem>>) src(%arg5 : memref<128x128xf32, #tpu.memory_space<hbm>>) dst(%arg9 : memref<128x128xf32, #tpu.memory_space<vmem>>)
      tpu.yield
    }) : () -> ()
    %mul3A = arith.constant 640 : i32
    %mul3A_0 = arith.muli %arg1, %mul3A : i32
    %add3A = arith.constant 0 : i32
    %add3A_1 = arith.addi %mul3A_0, %add3A : i32
    "tpu.region"() ({
      %run_scoped3A = tpu.sem_alloc : memref<!tpu.dma_semaphore, #tpu.memory_space<semaphore_mem>>
      %dma_start3A = arith.constant 0 : i32
      %dma_start3A_84 = tpu.memref_slice %arg10[%add3A_1, %dma_start3A] : memref<10240x128xf32, #tpu.memory_space<vmem_shared>> -> memref<128x128xf32, #tpu.memory_space<vmem_shared>>
      %dma_start3A_85 = arith.constant 0 : i32
      %dma_start3A_86 = tpu.memref_slice %arg10[%add3A_1, %dma_start3A_85] : memref<10240x128xf32, #tpu.memory_space<vmem_shared>> -> memref<128x128xf32, #tpu.memory_space<vmem_shared>>
      tpu.enqueue_dma source(%arg9 : memref<128x128xf32, #tpu.memory_space<vmem>>) target(%dma_start3A_86 : memref<128x128xf32, #tpu.memory_space<vmem_shared>>) target_semaphore(%run_scoped3A : memref<!tpu.dma_semaphore, #tpu.memory_space<semaphore_mem>>)
      %dma_wait3A = arith.constant 0 : i32
      %dma_wait3A_87 = tpu.memref_slice %arg10[%add3A_1, %dma_wait3A] : memref<10240x128xf32, #tpu.memory_space<vmem_shared>> -> memref<128x128xf32, #tpu.memory_space<vmem_shared>>
      %dma_wait3A_88 = arith.constant 0 : i32
      %dma_wait3A_89 = tpu.memref_slice %arg10[%add3A_1, %dma_wait3A_88] : memref<10240x128xf32, #tpu.memory_space<vmem_shared>> -> memref<128x128xf32, #tpu.memory_space<vmem_shared>>
      tpu.wait_dma2 semaphore(%run_scoped3A : memref<!tpu.dma_semaphore, #tpu.memory_space<semaphore_mem>>) src(%arg9 : memref<128x128xf32, #tpu.memory_space<vmem>>) dst(%dma_wait3A_89 : memref<128x128xf32, #tpu.memory_space<vmem_shared>>)
      tpu.yield
    }) : () -> ()
    %mul3A_2 = arith.constant 640 : i32
    %mul3A_3 = arith.muli %arg1, %mul3A_2 : i32
    %add3A_4 = arith.constant 128 : i32
    %add3A_5 = arith.addi %mul3A_3, %add3A_4 : i32
    "tpu.region"() ({
      %run_scoped3A = tpu.sem_alloc : memref<!tpu.dma_semaphore, #tpu.memory_space<semaphore_mem>>
      %dma_start3A = arith.constant 0 : i32
      %dma_start3A_84 = tpu.memref_slice %arg10[%add3A_5, %dma_start3A] : memref<10240x128xf32, #tpu.memory_space<vmem_shared>> -> memref<128x128xf32, #tpu.memory_space<vmem_shared>>
      %dma_start3A_85 = arith.constant 0 : i32
      %dma_start3A_86 = tpu.memref_slice %arg10[%add3A_5, %dma_start3A_85] : memref<10240x128xf32, #tpu.memory_space<vmem_shared>> -> memref<128x128xf32, #tpu.memory_space<vmem_shared>>
      tpu.enqueue_dma source(%arg9 : memref<128x128xf32, #tpu.memory_space<vmem>>) target(%dma_start3A_86 : memref<128x128xf32, #tpu.memory_space<vmem_shared>>) target_semaphore(%run_scoped3A : memref<!tpu.dma_semaphore, #tpu.memory_space<semaphore_mem>>)
      %dma_wait3A = arith.constant 0 : i32
      %dma_wait3A_87 = tpu.memref_slice %arg10[%add3A_5, %dma_wait3A] : memref<10240x128xf32, #tpu.memory_space<vmem_shared>> -> memref<128x128xf32, #tpu.memory_space<vmem_shared>>
      %dma_wait3A_88 = arith.constant 0 : i32
      %dma_wait3A_89 = tpu.memref_slice %arg10[%add3A_5, %dma_wait3A_88] : memref<10240x128xf32, #tpu.memory_space<vmem_shared>> -> memref<128x128xf32, #tpu.memory_space<vmem_shared>>
      tpu.wait_dma2 semaphore(%run_scoped3A : memref<!tpu.dma_semaphore, #tpu.memory_space<semaphore_mem>>) src(%arg9 : memref<128x128xf32, #tpu.memory_space<vmem>>) dst(%dma_wait3A_89 : memref<128x128xf32, #tpu.memory_space<vmem_shared>>)
      tpu.yield
    }) : () -> ()
    %mul3A_6 = arith.constant 640 : i32
    %mul3A_7 = arith.muli %arg1, %mul3A_6 : i32
    %add3A_8 = arith.constant 256 : i32
    %add3A_9 = arith.addi %mul3A_7, %add3A_8 : i32
    "tpu.region"() ({
      %run_scoped3A = tpu.sem_alloc : memref<!tpu.dma_semaphore, #tpu.memory_space<semaphore_mem>>
      %dma_start3A = arith.constant 0 : i32
      %dma_start3A_84 = tpu.memref_slice %arg10[%add3A_9, %dma_start3A] : memref<10240x128xf32, #tpu.memory_space<vmem_shared>> -> memref<128x128xf32, #tpu.memory_space<vmem_shared>>
      %dma_start3A_85 = arith.constant 0 : i32
      %dma_start3A_86 = tpu.memref_slice %arg10[%add3A_9, %dma_start3A_85] : memref<10240x128xf32, #tpu.memory_space<vmem_shared>> -> memref<128x128xf32, #tpu.memory_space<vmem_shared>>
      tpu.enqueue_dma source(%arg9 : memref<128x128xf32, #tpu.memory_space<vmem>>) target(%dma_start3A_86 : memref<128x128xf32, #tpu.memory_space<vmem_shared>>) target_semaphore(%run_scoped3A : memref<!tpu.dma_semaphore, #tpu.memory_space<semaphore_mem>>)
      %dma_wait3A = arith.constant 0 : i32
      %dma_wait3A_87 = tpu.memref_slice %arg10[%add3A_9, %dma_wait3A] : memref<10240x128xf32, #tpu.memory_space<vmem_shared>> -> memref<128x128xf32, #tpu.memory_space<vmem_shared>>
      %dma_wait3A_88 = arith.constant 0 : i32
      %dma_wait3A_89 = tpu.memref_slice %arg10[%add3A_9, %dma_wait3A_88] : memref<10240x128xf32, #tpu.memory_space<vmem_shared>> -> memref<128x128xf32, #tpu.memory_space<vmem_shared>>
      tpu.wait_dma2 semaphore(%run_scoped3A : memref<!tpu.dma_semaphore, #tpu.memory_space<semaphore_mem>>) src(%arg9 : memref<128x128xf32, #tpu.memory_space<vmem>>) dst(%dma_wait3A_89 : memref<128x128xf32, #tpu.memory_space<vmem_shared>>)
      tpu.yield
    }) : () -> ()
    %mul3A_10 = arith.constant 640 : i32
    %mul3A_11 = arith.muli %arg1, %mul3A_10 : i32
    %add3A_12 = arith.constant 384 : i32
    %add3A_13 = arith.addi %mul3A_11, %add3A_12 : i32
    "tpu.region"() ({
      %run_scoped3A = tpu.sem_alloc : memref<!tpu.dma_semaphore, #tpu.memory_space<semaphore_mem>>
      %dma_start3A = arith.constant 0 : i32
      %dma_start3A_84 = tpu.memref_slice %arg10[%add3A_13, %dma_start3A] : memref<10240x128xf32, #tpu.memory_space<vmem_shared>> -> memref<128x128xf32, #tpu.memory_space<vmem_shared>>
      %dma_start3A_85 = arith.constant 0 : i32
      %dma_start3A_86 = tpu.memref_slice %arg10[%add3A_13, %dma_start3A_85] : memref<10240x128xf32, #tpu.memory_space<vmem_shared>> -> memref<128x128xf32, #tpu.memory_space<vmem_shared>>
      tpu.enqueue_dma source(%arg9 : memref<128x128xf32, #tpu.memory_space<vmem>>) target(%dma_start3A_86 : memref<128x128xf32, #tpu.memory_space<vmem_shared>>) target_semaphore(%run_scoped3A : memref<!tpu.dma_semaphore, #tpu.memory_space<semaphore_mem>>)
      %dma_wait3A = arith.constant 0 : i32
      %dma_wait3A_87 = tpu.memref_slice %arg10[%add3A_13, %dma_wait3A] : memref<10240x128xf32, #tpu.memory_space<vmem_shared>> -> memref<128x128xf32, #tpu.memory_space<vmem_shared>>
      %dma_wait3A_88 = arith.constant 0 : i32
      %dma_wait3A_89 = tpu.memref_slice %arg10[%add3A_13, %dma_wait3A_88] : memref<10240x128xf32, #tpu.memory_space<vmem_shared>> -> memref<128x128xf32, #tpu.memory_space<vmem_shared>>
      tpu.wait_dma2 semaphore(%run_scoped3A : memref<!tpu.dma_semaphore, #tpu.memory_space<semaphore_mem>>) src(%arg9 : memref<128x128xf32, #tpu.memory_space<vmem>>) dst(%dma_wait3A_89 : memref<128x128xf32, #tpu.memory_space<vmem_shared>>)
      tpu.yield
    }) : () -> ()
    %mul3A_14 = arith.constant 640 : i32
    %mul3A_15 = arith.muli %arg1, %mul3A_14 : i32
    %add3A_16 = arith.constant 512 : i32
    %add3A_17 = arith.addi %mul3A_15, %add3A_16 : i32
    "tpu.region"() ({
      %run_scoped3A = tpu.sem_alloc : memref<!tpu.dma_semaphore, #tpu.memory_space<semaphore_mem>>
      %dma_start3A = arith.constant 0 : i32
      %dma_start3A_84 = tpu.memref_slice %arg10[%add3A_17, %dma_start3A] : memref<10240x128xf32, #tpu.memory_space<vmem_shared>> -> memref<128x128xf32, #tpu.memory_space<vmem_shared>>
      %dma_start3A_85 = arith.constant 0 : i32
      %dma_start3A_86 = tpu.memref_slice %arg10[%add3A_17, %dma_start3A_85] : memref<10240x128xf32, #tpu.memory_space<vmem_shared>> -> memref<128x128xf32, #tpu.memory_space<vmem_shared>>
      tpu.enqueue_dma source(%arg9 : memref<128x128xf32, #tpu.memory_space<vmem>>) target(%dma_start3A_86 : memref<128x128xf32, #tpu.memory_space<vmem_shared>>) target_semaphore(%run_scoped3A : memref<!tpu.dma_semaphore, #tpu.memory_space<semaphore_mem>>)
      %dma_wait3A = arith.constant 0 : i32
      %dma_wait3A_87 = tpu.memref_slice %arg10[%add3A_17, %dma_wait3A] : memref<10240x128xf32, #tpu.memory_space<vmem_shared>> -> memref<128x128xf32, #tpu.memory_space<vmem_shared>>
      %dma_wait3A_88 = arith.constant 0 : i32
      %dma_wait3A_89 = tpu.memref_slice %arg10[%add3A_17, %dma_wait3A_88] : memref<10240x128xf32, #tpu.memory_space<vmem_shared>> -> memref<128x128xf32, #tpu.memory_space<vmem_shared>>
      tpu.wait_dma2 semaphore(%run_scoped3A : memref<!tpu.dma_semaphore, #tpu.memory_space<semaphore_mem>>) src(%arg9 : memref<128x128xf32, #tpu.memory_space<vmem>>) dst(%dma_wait3A_89 : memref<128x128xf32, #tpu.memory_space<vmem_shared>>)
      tpu.yield
    }) : () -> ()
    %barrier3A = arith.constant 0 : index
    tpu.barrier barrier_id(%barrier3A)
    %mul3A_18 = arith.constant 16 : i32
    %mul3A_19 = arith.muli %arg0, %mul3A_18 : i32
    %add3A_20 = arith.addi %mul3A_19, %arg1 : i32
    %mul3A_21 = arith.constant 10112 : i32
    %mul3A_22 = arith.muli %add3A_20, %mul3A_21 : i32
    %scan3A = arith.constant 0 : i32
    %scan3A_23 = arith.constant 0 : i32
    %scan3A_24 = arith.constant 79 : i32
    %scan3A_25 = arith.addi %scan3A_23, %scan3A_24 : i32
    %scan3A_26 = arith.constant 1 : i32
    scf.for %scan3A_84 = %scan3A_23 to %scan3A_25 step %scan3A_26  : i32 {
      %mul3A_85 = arith.constant 128 : i32
      %mul3A_86 = arith.muli %scan3A_84, %mul3A_85 : i32
      %add3A_87 = arith.addi %mul3A_22, %mul3A_86 : i32
      "tpu.region"() ({
        %run_scoped3A = tpu.sem_alloc : memref<!tpu.dma_semaphore, #tpu.memory_space<semaphore_mem>>
        %dma_start3A_92 = tpu.memref_slice %arg3[%add3A_87] : memref<323584xi32, #tpu.memory_space<hbm>> -> memref<128xi32, #tpu.memory_space<hbm>>
        %dma_start3A_93 = tpu.memref_slice %arg3[%add3A_87] : memref<323584xi32, #tpu.memory_space<hbm>> -> memref<128xi32, #tpu.memory_space<hbm>>
        tpu.enqueue_dma source(%dma_start3A_93 : memref<128xi32, #tpu.memory_space<hbm>>) target(%arg7 : memref<128xi32, #tpu.memory_space<vmem>>) target_semaphore(%run_scoped3A : memref<!tpu.dma_semaphore, #tpu.memory_space<semaphore_mem>>)
        %dma_wait3A_94 = tpu.memref_slice %arg3[%add3A_87] : memref<323584xi32, #tpu.memory_space<hbm>> -> memref<128xi32, #tpu.memory_space<hbm>>
        %dma_wait3A_95 = tpu.memref_slice %arg3[%add3A_87] : memref<323584xi32, #tpu.memory_space<hbm>> -> memref<128xi32, #tpu.memory_space<hbm>>
        tpu.wait_dma2 semaphore(%run_scoped3A : memref<!tpu.dma_semaphore, #tpu.memory_space<semaphore_mem>>) src(%dma_wait3A_95 : memref<128xi32, #tpu.memory_space<hbm>>) dst(%arg7 : memref<128xi32, #tpu.memory_space<vmem>>)
        tpu.yield
      }) : () -> ()
      "tpu.region"() ({
        %run_scoped3A = tpu.sem_alloc : memref<!tpu.dma_semaphore, #tpu.memory_space<semaphore_mem>>
        %dma_start3A_92 = tpu.memref_slice %arg4[%add3A_87] : memref<323584xi32, #tpu.memory_space<hbm>> -> memref<128xi32, #tpu.memory_space<hbm>>
        %dma_start3A_93 = tpu.memref_slice %arg4[%add3A_87] : memref<323584xi32, #tpu.memory_space<hbm>> -> memref<128xi32, #tpu.memory_space<hbm>>
        tpu.enqueue_dma source(%dma_start3A_93 : memref<128xi32, #tpu.memory_space<hbm>>) target(%arg8 : memref<128xi32, #tpu.memory_space<vmem>>) target_semaphore(%run_scoped3A : memref<!tpu.dma_semaphore, #tpu.memory_space<semaphore_mem>>)
        %dma_wait3A_94 = tpu.memref_slice %arg4[%add3A_87] : memref<323584xi32, #tpu.memory_space<hbm>> -> memref<128xi32, #tpu.memory_space<hbm>>
        %dma_wait3A_95 = tpu.memref_slice %arg4[%add3A_87] : memref<323584xi32, #tpu.memory_space<hbm>> -> memref<128xi32, #tpu.memory_space<hbm>>
        tpu.wait_dma2 semaphore(%run_scoped3A : memref<!tpu.dma_semaphore, #tpu.memory_space<semaphore_mem>>) src(%dma_wait3A_95 : memref<128xi32, #tpu.memory_space<hbm>>) dst(%arg8 : memref<128xi32, #tpu.memory_space<vmem>>)
        tpu.yield
      }) : () -> ()
      %dma_start3A = arith.constant 0 : i32
      %dma_start3A_88 = arith.constant 0 : i32
      %dma_start3A_89 = tpu.memref_slice %arg2[%dma_start3A, %dma_start3A_88] : memref<10000x128xf32, #tpu.memory_space<hbm>> -> memref<10000x128xf32, #tpu.memory_space<hbm>>
      tpu.enqueue_indirect_dma source(%dma_start3A_89 : memref<10000x128xf32, #tpu.memory_space<hbm>>) target(%arg9 : memref<128x128xf32, #tpu.memory_space<vmem>>) offsets(%arg7 : memref<128xi32, #tpu.memory_space<vmem>>) semaphore(%arg11 : memref<!tpu.dma_semaphore, #tpu.memory_space<semaphore_mem>>)
      %dma_wait3A = arith.constant 0 : i32
      %dma_wait3A_90 = arith.constant 0 : i32
      %dma_wait3A_91 = tpu.memref_slice %arg2[%dma_wait3A, %dma_wait3A_90] : memref<10000x128xf32, #tpu.memory_space<hbm>> -> memref<10000x128xf32, #tpu.memory_space<hbm>>
      tpu.wait_indirect_dma semaphore(%arg11 : memref<!tpu.dma_semaphore, #tpu.memory_space<semaphore_mem>>) src(%dma_wait3A_91 : memref<10000x128xf32, #tpu.memory_space<hbm>>) dst(%arg9 : memref<128x128xf32, #tpu.memory_space<vmem>>)
      "tpu.region"() ({
        %run_scoped3A = tpu.sem_alloc : memref<!tpu.dma_semaphore, #tpu.memory_space<semaphore_mem>>
        %dma_start3A_92 = arith.constant 0 : i32
        %dma_start3A_93 = arith.constant 0 : i32
        %dma_start3A_94 = tpu.memref_slice %arg10[%dma_start3A_92, %dma_start3A_93] : memref<10240x128xf32, #tpu.memory_space<vmem_shared>> -> memref<10240x128xf32, #tpu.memory_space<vmem_shared>>
        tpu.enqueue_indirect_dma source(%arg9 : memref<128x128xf32, #tpu.memory_space<vmem>>) target(%dma_start3A_94 : memref<10240x128xf32, #tpu.memory_space<vmem_shared>>) offsets(%arg8 : memref<128xi32, #tpu.memory_space<vmem>>) semaphore(%run_scoped3A : memref<!tpu.dma_semaphore, #tpu.memory_space<semaphore_mem>>) {add = true}
        %dma_wait3A_95 = arith.constant 0 : i32
        %dma_wait3A_96 = arith.constant 0 : i32
        %dma_wait3A_97 = tpu.memref_slice %arg10[%dma_wait3A_95, %dma_wait3A_96] : memref<10240x128xf32, #tpu.memory_space<vmem_shared>> -> memref<10240x128xf32, #tpu.memory_space<vmem_shared>>
        tpu.wait_indirect_dma semaphore(%run_scoped3A : memref<!tpu.dma_semaphore, #tpu.memory_space<semaphore_mem>>) src(%arg9 : memref<128x128xf32, #tpu.memory_space<vmem>>) dst(%dma_wait3A_97 : memref<10240x128xf32, #tpu.memory_space<vmem_shared>>)
        tpu.yield
      }) : () -> ()
    }
    %scan3A_27 = arith.constant 79 : i32
    %barrier3A_28 = arith.constant 0 : index
    tpu.barrier barrier_id(%barrier3A_28)
    %mul3A_29 = arith.constant 640 : i32
    %mul3A_30 = arith.muli %arg1, %mul3A_29 : i32
    %add3A_31 = arith.constant 0 : i32
    %add3A_32 = arith.addi %mul3A_30, %add3A_31 : i32
    "tpu.region"() ({
      %run_scoped3A = tpu.sem_alloc : memref<!tpu.dma_semaphore, #tpu.memory_space<semaphore_mem>>
      %dma_start3A = arith.constant 0 : i32
      %dma_start3A_84 = tpu.memref_slice %arg10[%add3A_32, %dma_start3A] : memref<10240x128xf32, #tpu.memory_space<vmem_shared>> -> memref<128x128xf32, #tpu.memory_space<vmem_shared>>
      %dma_start3A_85 = arith.constant 0 : i32
      %dma_start3A_86 = tpu.memref_slice %arg10[%add3A_32, %dma_start3A_85] : memref<10240x128xf32, #tpu.memory_space<vmem_shared>> -> memref<128x128xf32, #tpu.memory_space<vmem_shared>>
      tpu.enqueue_dma source(%dma_start3A_86 : memref<128x128xf32, #tpu.memory_space<vmem_shared>>) target(%arg9 : memref<128x128xf32, #tpu.memory_space<vmem>>) target_semaphore(%run_scoped3A : memref<!tpu.dma_semaphore, #tpu.memory_space<semaphore_mem>>)
      %dma_wait3A = arith.constant 0 : i32
      %dma_wait3A_87 = tpu.memref_slice %arg10[%add3A_32, %dma_wait3A] : memref<10240x128xf32, #tpu.memory_space<vmem_shared>> -> memref<128x128xf32, #tpu.memory_space<vmem_shared>>
      %dma_wait3A_88 = arith.constant 0 : i32
      %dma_wait3A_89 = tpu.memref_slice %arg10[%add3A_32, %dma_wait3A_88] : memref<10240x128xf32, #tpu.memory_space<vmem_shared>> -> memref<128x128xf32, #tpu.memory_space<vmem_shared>>
      tpu.wait_dma2 semaphore(%run_scoped3A : memref<!tpu.dma_semaphore, #tpu.memory_space<semaphore_mem>>) src(%dma_wait3A_89 : memref<128x128xf32, #tpu.memory_space<vmem_shared>>) dst(%arg9 : memref<128x128xf32, #tpu.memory_space<vmem>>)
      tpu.yield
    }) : () -> ()
    %mul3A_33 = arith.constant 10240 : i32
    %mul3A_34 = arith.muli %arg0, %mul3A_33 : i32
    %mul3A_35 = arith.constant 640 : i32
    %mul3A_36 = arith.muli %arg1, %mul3A_35 : i32
    %add3A_37 = arith.addi %mul3A_34, %mul3A_36 : i32
    %add3A_38 = arith.constant 0 : i32
    %add3A_39 = arith.addi %add3A_37, %add3A_38 : i32
    "tpu.region"() ({
      %run_scoped3A = tpu.sem_alloc : memref<!tpu.dma_semaphore, #tpu.memory_space<semaphore_mem>>
      %dma_start3A = arith.constant 0 : i32
      %dma_start3A_84 = tpu.memref_slice %arg6[%add3A_39, %dma_start3A] : memref<20480x128xf32, #tpu.memory_space<hbm>> -> memref<128x128xf32, #tpu.memory_space<hbm>>
      %dma_start3A_85 = arith.constant 0 : i32
      %dma_start3A_86 = tpu.memref_slice %arg6[%add3A_39, %dma_start3A_85] : memref<20480x128xf32, #tpu.memory_space<hbm>> -> memref<128x128xf32, #tpu.memory_space<hbm>>
      tpu.enqueue_dma source(%arg9 : memref<128x128xf32, #tpu.memory_space<vmem>>) target(%dma_start3A_86 : memref<128x128xf32, #tpu.memory_space<hbm>>) target_semaphore(%run_scoped3A : memref<!tpu.dma_semaphore, #tpu.memory_space<semaphore_mem>>)
      %dma_wait3A = arith.constant 0 : i32
      %dma_wait3A_87 = tpu.memref_slice %arg6[%add3A_39, %dma_wait3A] : memref<20480x128xf32, #tpu.memory_space<hbm>> -> memref<128x128xf32, #tpu.memory_space<hbm>>
      %dma_wait3A_88 = arith.constant 0 : i32
      %dma_wait3A_89 = tpu.memref_slice %arg6[%add3A_39, %dma_wait3A_88] : memref<20480x128xf32, #tpu.memory_space<hbm>> -> memref<128x128xf32, #tpu.memory_space<hbm>>
      tpu.wait_dma2 semaphore(%run_scoped3A : memref<!tpu.dma_semaphore, #tpu.memory_space<semaphore_mem>>) src(%arg9 : memref<128x128xf32, #tpu.memory_space<vmem>>) dst(%dma_wait3A_89 : memref<128x128xf32, #tpu.memory_space<hbm>>)
      tpu.yield
    }) : () -> ()
    %mul3A_40 = arith.constant 640 : i32
    %mul3A_41 = arith.muli %arg1, %mul3A_40 : i32
    %add3A_42 = arith.constant 128 : i32
    %add3A_43 = arith.addi %mul3A_41, %add3A_42 : i32
    "tpu.region"() ({
      %run_scoped3A = tpu.sem_alloc : memref<!tpu.dma_semaphore, #tpu.memory_space<semaphore_mem>>
      %dma_start3A = arith.constant 0 : i32
      %dma_start3A_84 = tpu.memref_slice %arg10[%add3A_43, %dma_start3A] : memref<10240x128xf32, #tpu.memory_space<vmem_shared>> -> memref<128x128xf32, #tpu.memory_space<vmem_shared>>
      %dma_start3A_85 = arith.constant 0 : i32
      %dma_start3A_86 = tpu.memref_slice %arg10[%add3A_43, %dma_start3A_85] : memref<10240x128xf32, #tpu.memory_space<vmem_shared>> -> memref<128x128xf32, #tpu.memory_space<vmem_shared>>
      tpu.enqueue_dma source(%dma_start3A_86 : memref<128x128xf32, #tpu.memory_space<vmem_shared>>) target(%arg9 : memref<128x128xf32, #tpu.memory_space<vmem>>) target_semaphore(%run_scoped3A : memref<!tpu.dma_semaphore, #tpu.memory_space<semaphore_mem>>)
      %dma_wait3A = arith.constant 0 : i32
      %dma_wait3A_87 = tpu.memref_slice %arg10[%add3A_43, %dma_wait3A] : memref<10240x128xf32, #tpu.memory_space<vmem_shared>> -> memref<128x128xf32, #tpu.memory_space<vmem_shared>>
      %dma_wait3A_88 = arith.constant 0 : i32
      %dma_wait3A_89 = tpu.memref_slice %arg10[%add3A_43, %dma_wait3A_88] : memref<10240x128xf32, #tpu.memory_space<vmem_shared>> -> memref<128x128xf32, #tpu.memory_space<vmem_shared>>
      tpu.wait_dma2 semaphore(%run_scoped3A : memref<!tpu.dma_semaphore, #tpu.memory_space<semaphore_mem>>) src(%dma_wait3A_89 : memref<128x128xf32, #tpu.memory_space<vmem_shared>>) dst(%arg9 : memref<128x128xf32, #tpu.memory_space<vmem>>)
      tpu.yield
    }) : () -> ()
    %mul3A_44 = arith.constant 10240 : i32
    %mul3A_45 = arith.muli %arg0, %mul3A_44 : i32
    %mul3A_46 = arith.constant 640 : i32
    %mul3A_47 = arith.muli %arg1, %mul3A_46 : i32
    %add3A_48 = arith.addi %mul3A_45, %mul3A_47 : i32
    %add3A_49 = arith.constant 128 : i32
    %add3A_50 = arith.addi %add3A_48, %add3A_49 : i32
    "tpu.region"() ({
      %run_scoped3A = tpu.sem_alloc : memref<!tpu.dma_semaphore, #tpu.memory_space<semaphore_mem>>
      %dma_start3A = arith.constant 0 : i32
      %dma_start3A_84 = tpu.memref_slice %arg6[%add3A_50, %dma_start3A] : memref<20480x128xf32, #tpu.memory_space<hbm>> -> memref<128x128xf32, #tpu.memory_space<hbm>>
      %dma_start3A_85 = arith.constant 0 : i32
      %dma_start3A_86 = tpu.memref_slice %arg6[%add3A_50, %dma_start3A_85] : memref<20480x128xf32, #tpu.memory_space<hbm>> -> memref<128x128xf32, #tpu.memory_space<hbm>>
      tpu.enqueue_dma source(%arg9 : memref<128x128xf32, #tpu.memory_space<vmem>>) target(%dma_start3A_86 : memref<128x128xf32, #tpu.memory_space<hbm>>) target_semaphore(%run_scoped3A : memref<!tpu.dma_semaphore, #tpu.memory_space<semaphore_mem>>)
      %dma_wait3A = arith.constant 0 : i32
      %dma_wait3A_87 = tpu.memref_slice %arg6[%add3A_50, %dma_wait3A] : memref<20480x128xf32, #tpu.memory_space<hbm>> -> memref<128x128xf32, #tpu.memory_space<hbm>>
      %dma_wait3A_88 = arith.constant 0 : i32
      %dma_wait3A_89 = tpu.memref_slice %arg6[%add3A_50, %dma_wait3A_88] : memref<20480x128xf32, #tpu.memory_space<hbm>> -> memref<128x128xf32, #tpu.memory_space<hbm>>
      tpu.wait_dma2 semaphore(%run_scoped3A : memref<!tpu.dma_semaphore, #tpu.memory_space<semaphore_mem>>) src(%arg9 : memref<128x128xf32, #tpu.memory_space<vmem>>) dst(%dma_wait3A_89 : memref<128x128xf32, #tpu.memory_space<hbm>>)
      tpu.yield
    }) : () -> ()
    %mul3A_51 = arith.constant 640 : i32
    %mul3A_52 = arith.muli %arg1, %mul3A_51 : i32
    %add3A_53 = arith.constant 256 : i32
    %add3A_54 = arith.addi %mul3A_52, %add3A_53 : i32
    "tpu.region"() ({
      %run_scoped3A = tpu.sem_alloc : memref<!tpu.dma_semaphore, #tpu.memory_space<semaphore_mem>>
      %dma_start3A = arith.constant 0 : i32
      %dma_start3A_84 = tpu.memref_slice %arg10[%add3A_54, %dma_start3A] : memref<10240x128xf32, #tpu.memory_space<vmem_shared>> -> memref<128x128xf32, #tpu.memory_space<vmem_shared>>
      %dma_start3A_85 = arith.constant 0 : i32
      %dma_start3A_86 = tpu.memref_slice %arg10[%add3A_54, %dma_start3A_85] : memref<10240x128xf32, #tpu.memory_space<vmem_shared>> -> memref<128x128xf32, #tpu.memory_space<vmem_shared>>
      tpu.enqueue_dma source(%dma_start3A_86 : memref<128x128xf32, #tpu.memory_space<vmem_shared>>) target(%arg9 : memref<128x128xf32, #tpu.memory_space<vmem>>) target_semaphore(%run_scoped3A : memref<!tpu.dma_semaphore, #tpu.memory_space<semaphore_mem>>)
      %dma_wait3A = arith.constant 0 : i32
      %dma_wait3A_87 = tpu.memref_slice %arg10[%add3A_54, %dma_wait3A] : memref<10240x128xf32, #tpu.memory_space<vmem_shared>> -> memref<128x128xf32, #tpu.memory_space<vmem_shared>>
      %dma_wait3A_88 = arith.constant 0 : i32
      %dma_wait3A_89 = tpu.memref_slice %arg10[%add3A_54, %dma_wait3A_88] : memref<10240x128xf32, #tpu.memory_space<vmem_shared>> -> memref<128x128xf32, #tpu.memory_space<vmem_shared>>
      tpu.wait_dma2 semaphore(%run_scoped3A : memref<!tpu.dma_semaphore, #tpu.memory_space<semaphore_mem>>) src(%dma_wait3A_89 : memref<128x128xf32, #tpu.memory_space<vmem_shared>>) dst(%arg9 : memref<128x128xf32, #tpu.memory_space<vmem>>)
      tpu.yield
    }) : () -> ()
    %mul3A_55 = arith.constant 10240 : i32
    %mul3A_56 = arith.muli %arg0, %mul3A_55 : i32
    %mul3A_57 = arith.constant 640 : i32
    %mul3A_58 = arith.muli %arg1, %mul3A_57 : i32
    %add3A_59 = arith.addi %mul3A_56, %mul3A_58 : i32
    %add3A_60 = arith.constant 256 : i32
    %add3A_61 = arith.addi %add3A_59, %add3A_60 : i32
    "tpu.region"() ({
      %run_scoped3A = tpu.sem_alloc : memref<!tpu.dma_semaphore, #tpu.memory_space<semaphore_mem>>
      %dma_start3A = arith.constant 0 : i32
      %dma_start3A_84 = tpu.memref_slice %arg6[%add3A_61, %dma_start3A] : memref<20480x128xf32, #tpu.memory_space<hbm>> -> memref<128x128xf32, #tpu.memory_space<hbm>>
      %dma_start3A_85 = arith.constant 0 : i32
      %dma_start3A_86 = tpu.memref_slice %arg6[%add3A_61, %dma_start3A_85] : memref<20480x128xf32, #tpu.memory_space<hbm>> -> memref<128x128xf32, #tpu.memory_space<hbm>>
      tpu.enqueue_dma source(%arg9 : memref<128x128xf32, #tpu.memory_space<vmem>>) target(%dma_start3A_86 : memref<128x128xf32, #tpu.memory_space<hbm>>) target_semaphore(%run_scoped3A : memref<!tpu.dma_semaphore, #tpu.memory_space<semaphore_mem>>)
      %dma_wait3A = arith.constant 0 : i32
      %dma_wait3A_87 = tpu.memref_slice %arg6[%add3A_61, %dma_wait3A] : memref<20480x128xf32, #tpu.memory_space<hbm>> -> memref<128x128xf32, #tpu.memory_space<hbm>>
      %dma_wait3A_88 = arith.constant 0 : i32
      %dma_wait3A_89 = tpu.memref_slice %arg6[%add3A_61, %dma_wait3A_88] : memref<20480x128xf32, #tpu.memory_space<hbm>> -> memref<128x128xf32, #tpu.memory_space<hbm>>
      tpu.wait_dma2 semaphore(%run_scoped3A : memref<!tpu.dma_semaphore, #tpu.memory_space<semaphore_mem>>) src(%arg9 : memref<128x128xf32, #tpu.memory_space<vmem>>) dst(%dma_wait3A_89 : memref<128x128xf32, #tpu.memory_space<hbm>>)
      tpu.yield
    }) : () -> ()
    %mul3A_62 = arith.constant 640 : i32
    %mul3A_63 = arith.muli %arg1, %mul3A_62 : i32
    %add3A_64 = arith.constant 384 : i32
    %add3A_65 = arith.addi %mul3A_63, %add3A_64 : i32
    "tpu.region"() ({
      %run_scoped3A = tpu.sem_alloc : memref<!tpu.dma_semaphore, #tpu.memory_space<semaphore_mem>>
      %dma_start3A = arith.constant 0 : i32
      %dma_start3A_84 = tpu.memref_slice %arg10[%add3A_65, %dma_start3A] : memref<10240x128xf32, #tpu.memory_space<vmem_shared>> -> memref<128x128xf32, #tpu.memory_space<vmem_shared>>
      %dma_start3A_85 = arith.constant 0 : i32
      %dma_start3A_86 = tpu.memref_slice %arg10[%add3A_65, %dma_start3A_85] : memref<10240x128xf32, #tpu.memory_space<vmem_shared>> -> memref<128x128xf32, #tpu.memory_space<vmem_shared>>
      tpu.enqueue_dma source(%dma_start3A_86 : memref<128x128xf32, #tpu.memory_space<vmem_shared>>) target(%arg9 : memref<128x128xf32, #tpu.memory_space<vmem>>) target_semaphore(%run_scoped3A : memref<!tpu.dma_semaphore, #tpu.memory_space<semaphore_mem>>)
      %dma_wait3A = arith.constant 0 : i32
      %dma_wait3A_87 = tpu.memref_slice %arg10[%add3A_65, %dma_wait3A] : memref<10240x128xf32, #tpu.memory_space<vmem_shared>> -> memref<128x128xf32, #tpu.memory_space<vmem_shared>>
      %dma_wait3A_88 = arith.constant 0 : i32
      %dma_wait3A_89 = tpu.memref_slice %arg10[%add3A_65, %dma_wait3A_88] : memref<10240x128xf32, #tpu.memory_space<vmem_shared>> -> memref<128x128xf32, #tpu.memory_space<vmem_shared>>
      tpu.wait_dma2 semaphore(%run_scoped3A : memref<!tpu.dma_semaphore, #tpu.memory_space<semaphore_mem>>) src(%dma_wait3A_89 : memref<128x128xf32, #tpu.memory_space<vmem_shared>>) dst(%arg9 : memref<128x128xf32, #tpu.memory_space<vmem>>)
      tpu.yield
    }) : () -> ()
    %mul3A_66 = arith.constant 10240 : i32
    %mul3A_67 = arith.muli %arg0, %mul3A_66 : i32
    %mul3A_68 = arith.constant 640 : i32
    %mul3A_69 = arith.muli %arg1, %mul3A_68 : i32
    %add3A_70 = arith.addi %mul3A_67, %mul3A_69 : i32
    %add3A_71 = arith.constant 384 : i32
    %add3A_72 = arith.addi %add3A_70, %add3A_71 : i32
    "tpu.region"() ({
      %run_scoped3A = tpu.sem_alloc : memref<!tpu.dma_semaphore, #tpu.memory_space<semaphore_mem>>
      %dma_start3A = arith.constant 0 : i32
      %dma_start3A_84 = tpu.memref_slice %arg6[%add3A_72, %dma_start3A] : memref<20480x128xf32, #tpu.memory_space<hbm>> -> memref<128x128xf32, #tpu.memory_space<hbm>>
      %dma_start3A_85 = arith.constant 0 : i32
      %dma_start3A_86 = tpu.memref_slice %arg6[%add3A_72, %dma_start3A_85] : memref<20480x128xf32, #tpu.memory_space<hbm>> -> memref<128x128xf32, #tpu.memory_space<hbm>>
      tpu.enqueue_dma source(%arg9 : memref<128x128xf32, #tpu.memory_space<vmem>>) target(%dma_start3A_86 : memref<128x128xf32, #tpu.memory_space<hbm>>) target_semaphore(%run_scoped3A : memref<!tpu.dma_semaphore, #tpu.memory_space<semaphore_mem>>)
      %dma_wait3A = arith.constant 0 : i32
      %dma_wait3A_87 = tpu.memref_slice %arg6[%add3A_72, %dma_wait3A] : memref<20480x128xf32, #tpu.memory_space<hbm>> -> memref<128x128xf32, #tpu.memory_space<hbm>>
      %dma_wait3A_88 = arith.constant 0 : i32
      %dma_wait3A_89 = tpu.memref_slice %arg6[%add3A_72, %dma_wait3A_88] : memref<20480x128xf32, #tpu.memory_space<hbm>> -> memref<128x128xf32, #tpu.memory_space<hbm>>
      tpu.wait_dma2 semaphore(%run_scoped3A : memref<!tpu.dma_semaphore, #tpu.memory_space<semaphore_mem>>) src(%arg9 : memref<128x128xf32, #tpu.memory_space<vmem>>) dst(%dma_wait3A_89 : memref<128x128xf32, #tpu.memory_space<hbm>>)
      tpu.yield
    }) : () -> ()
    %mul3A_73 = arith.constant 640 : i32
    %mul3A_74 = arith.muli %arg1, %mul3A_73 : i32
    %add3A_75 = arith.constant 512 : i32
    %add3A_76 = arith.addi %mul3A_74, %add3A_75 : i32
    "tpu.region"() ({
      %run_scoped3A = tpu.sem_alloc : memref<!tpu.dma_semaphore, #tpu.memory_space<semaphore_mem>>
      %dma_start3A = arith.constant 0 : i32
      %dma_start3A_84 = tpu.memref_slice %arg10[%add3A_76, %dma_start3A] : memref<10240x128xf32, #tpu.memory_space<vmem_shared>> -> memref<128x128xf32, #tpu.memory_space<vmem_shared>>
      %dma_start3A_85 = arith.constant 0 : i32
      %dma_start3A_86 = tpu.memref_slice %arg10[%add3A_76, %dma_start3A_85] : memref<10240x128xf32, #tpu.memory_space<vmem_shared>> -> memref<128x128xf32, #tpu.memory_space<vmem_shared>>
      tpu.enqueue_dma source(%dma_start3A_86 : memref<128x128xf32, #tpu.memory_space<vmem_shared>>) target(%arg9 : memref<128x128xf32, #tpu.memory_space<vmem>>) target_semaphore(%run_scoped3A : memref<!tpu.dma_semaphore, #tpu.memory_space<semaphore_mem>>)
      %dma_wait3A = arith.constant 0 : i32
      %dma_wait3A_87 = tpu.memref_slice %arg10[%add3A_76, %dma_wait3A] : memref<10240x128xf32, #tpu.memory_space<vmem_shared>> -> memref<128x128xf32, #tpu.memory_space<vmem_shared>>
      %dma_wait3A_88 = arith.constant 0 : i32
      %dma_wait3A_89 = tpu.memref_slice %arg10[%add3A_76, %dma_wait3A_88] : memref<10240x128xf32, #tpu.memory_space<vmem_shared>> -> memref<128x128xf32, #tpu.memory_space<vmem_shared>>
      tpu.wait_dma2 semaphore(%run_scoped3A : memref<!tpu.dma_semaphore, #tpu.memory_space<semaphore_mem>>) src(%dma_wait3A_89 : memref<128x128xf32, #tpu.memory_space<vmem_shared>>) dst(%arg9 : memref<128x128xf32, #tpu.memory_space<vmem>>)
      tpu.yield
    }) : () -> ()
    %mul3A_77 = arith.constant 10240 : i32
    %mul3A_78 = arith.muli %arg0, %mul3A_77 : i32
    %mul3A_79 = arith.constant 640 : i32
    %mul3A_80 = arith.muli %arg1, %mul3A_79 : i32
    %add3A_81 = arith.addi %mul3A_78, %mul3A_80 : i32
    %add3A_82 = arith.constant 512 : i32
    %add3A_83 = arith.addi %add3A_81, %add3A_82 : i32
    "tpu.region"() ({
      %run_scoped3A = tpu.sem_alloc : memref<!tpu.dma_semaphore, #tpu.memory_space<semaphore_mem>>
      %dma_start3A = arith.constant 0 : i32
      %dma_start3A_84 = tpu.memref_slice %arg6[%add3A_83, %dma_start3A] : memref<20480x128xf32, #tpu.memory_space<hbm>> -> memref<128x128xf32, #tpu.memory_space<hbm>>
      %dma_start3A_85 = arith.constant 0 : i32
      %dma_start3A_86 = tpu.memref_slice %arg6[%add3A_83, %dma_start3A_85] : memref<20480x128xf32, #tpu.memory_space<hbm>> -> memref<128x128xf32, #tpu.memory_space<hbm>>
      tpu.enqueue_dma source(%arg9 : memref<128x128xf32, #tpu.memory_space<vmem>>) target(%dma_start3A_86 : memref<128x128xf32, #tpu.memory_space<hbm>>) target_semaphore(%run_scoped3A : memref<!tpu.dma_semaphore, #tpu.memory_space<semaphore_mem>>)
      %dma_wait3A = arith.constant 0 : i32
      %dma_wait3A_87 = tpu.memref_slice %arg6[%add3A_83, %dma_wait3A] : memref<20480x128xf32, #tpu.memory_space<hbm>> -> memref<128x128xf32, #tpu.memory_space<hbm>>
      %dma_wait3A_88 = arith.constant 0 : i32
      %dma_wait3A_89 = tpu.memref_slice %arg6[%add3A_83, %dma_wait3A_88] : memref<20480x128xf32, #tpu.memory_space<hbm>> -> memref<128x128xf32, #tpu.memory_space<hbm>>
      tpu.wait_dma2 semaphore(%run_scoped3A : memref<!tpu.dma_semaphore, #tpu.memory_space<semaphore_mem>>) src(%arg9 : memref<128x128xf32, #tpu.memory_space<vmem>>) dst(%dma_wait3A_89 : memref<128x128xf32, #tpu.memory_space<hbm>>)
      tpu.yield
    }) : () -> ()
    return
  }
}

#map = affine_map<(d0, d1) -> (0)>
#map1 = affine_map<(d0, d1) -> (0, 0)>
module attributes {stable_mosaic.version = 14 : i64} {
  func.func @sc_edge_cnt(%arg0: i32, %arg1: i32, %arg2: memref<323584xi32, #tpu.memory_space<hbm>>, %arg3: memref<256x32xf32, #tpu.memory_space<hbm>>, %arg4: memref<20480x32xf32, #tpu.memory_space<hbm>>, %arg5: memref<128xi32, #tpu.memory_space<vmem>>, %arg6: memref<128x32xf32, #tpu.memory_space<vmem>>, %arg7: memref<128x32xf32, #tpu.memory_space<vmem>>, %arg8: memref<10240x32xf32, #tpu.memory_space<vmem_shared>>) attributes {dimension_semantics = [#tpu.dimension_semantics<core_parallel>, #tpu.dimension_semantics<subcore_parallel>], iteration_bounds = array<i64: 2, 16>, scalar_prefetch = 0 : i64, scratch_operands = 4 : i64, tpu.core_type = #tpu.core_type<sc_vector_subcore>, window_params = [{transform_indices = #map}, {transform_indices = #map1}, {transform_indices = #map1}]} {
    "tpu.region"() ({
      %run_scoped3A = tpu.sem_alloc : memref<!tpu.dma_semaphore, #tpu.memory_space<semaphore_mem>>
      %dma_start3A = arith.constant 128 : i32
      %dma_start3A_84 = arith.constant 0 : i32
      %dma_start3A_85 = tpu.memref_slice %arg3[%dma_start3A, %dma_start3A_84] : memref<256x32xf32, #tpu.memory_space<hbm>> -> memref<128x32xf32, #tpu.memory_space<hbm>>
      %dma_start3A_86 = arith.constant 128 : i32
      %dma_start3A_87 = arith.constant 0 : i32
      %dma_start3A_88 = tpu.memref_slice %arg3[%dma_start3A_86, %dma_start3A_87] : memref<256x32xf32, #tpu.memory_space<hbm>> -> memref<128x32xf32, #tpu.memory_space<hbm>>
      tpu.enqueue_dma source(%dma_start3A_88 : memref<128x32xf32, #tpu.memory_space<hbm>>) target(%arg7 : memref<128x32xf32, #tpu.memory_space<vmem>>) target_semaphore(%run_scoped3A : memref<!tpu.dma_semaphore, #tpu.memory_space<semaphore_mem>>)
      %dma_wait3A = arith.constant 128 : i32
      %dma_wait3A_89 = arith.constant 0 : i32
      %dma_wait3A_90 = tpu.memref_slice %arg3[%dma_wait3A, %dma_wait3A_89] : memref<256x32xf32, #tpu.memory_space<hbm>> -> memref<128x32xf32, #tpu.memory_space<hbm>>
      %dma_wait3A_91 = arith.constant 128 : i32
      %dma_wait3A_92 = arith.constant 0 : i32
      %dma_wait3A_93 = tpu.memref_slice %arg3[%dma_wait3A_91, %dma_wait3A_92] : memref<256x32xf32, #tpu.memory_space<hbm>> -> memref<128x32xf32, #tpu.memory_space<hbm>>
      tpu.wait_dma2 semaphore(%run_scoped3A : memref<!tpu.dma_semaphore, #tpu.memory_space<semaphore_mem>>) src(%dma_wait3A_93 : memref<128x32xf32, #tpu.memory_space<hbm>>) dst(%arg7 : memref<128x32xf32, #tpu.memory_space<vmem>>)
      tpu.yield
    }) : () -> ()
    %mul3A = arith.constant 640 : i32
    %mul3A_0 = arith.muli %arg1, %mul3A : i32
    %add3A = arith.constant 0 : i32
    %add3A_1 = arith.addi %mul3A_0, %add3A : i32
    "tpu.region"() ({
      %run_scoped3A = tpu.sem_alloc : memref<!tpu.dma_semaphore, #tpu.memory_space<semaphore_mem>>
      %dma_start3A = arith.constant 0 : i32
      %dma_start3A_84 = tpu.memref_slice %arg8[%add3A_1, %dma_start3A] : memref<10240x32xf32, #tpu.memory_space<vmem_shared>> -> memref<128x32xf32, #tpu.memory_space<vmem_shared>>
      %dma_start3A_85 = arith.constant 0 : i32
      %dma_start3A_86 = tpu.memref_slice %arg8[%add3A_1, %dma_start3A_85] : memref<10240x32xf32, #tpu.memory_space<vmem_shared>> -> memref<128x32xf32, #tpu.memory_space<vmem_shared>>
      tpu.enqueue_dma source(%arg7 : memref<128x32xf32, #tpu.memory_space<vmem>>) target(%dma_start3A_86 : memref<128x32xf32, #tpu.memory_space<vmem_shared>>) target_semaphore(%run_scoped3A : memref<!tpu.dma_semaphore, #tpu.memory_space<semaphore_mem>>)
      %dma_wait3A = arith.constant 0 : i32
      %dma_wait3A_87 = tpu.memref_slice %arg8[%add3A_1, %dma_wait3A] : memref<10240x32xf32, #tpu.memory_space<vmem_shared>> -> memref<128x32xf32, #tpu.memory_space<vmem_shared>>
      %dma_wait3A_88 = arith.constant 0 : i32
      %dma_wait3A_89 = tpu.memref_slice %arg8[%add3A_1, %dma_wait3A_88] : memref<10240x32xf32, #tpu.memory_space<vmem_shared>> -> memref<128x32xf32, #tpu.memory_space<vmem_shared>>
      tpu.wait_dma2 semaphore(%run_scoped3A : memref<!tpu.dma_semaphore, #tpu.memory_space<semaphore_mem>>) src(%arg7 : memref<128x32xf32, #tpu.memory_space<vmem>>) dst(%dma_wait3A_89 : memref<128x32xf32, #tpu.memory_space<vmem_shared>>)
      tpu.yield
    }) : () -> ()
    %mul3A_2 = arith.constant 640 : i32
    %mul3A_3 = arith.muli %arg1, %mul3A_2 : i32
    %add3A_4 = arith.constant 128 : i32
    %add3A_5 = arith.addi %mul3A_3, %add3A_4 : i32
    "tpu.region"() ({
      %run_scoped3A = tpu.sem_alloc : memref<!tpu.dma_semaphore, #tpu.memory_space<semaphore_mem>>
      %dma_start3A = arith.constant 0 : i32
      %dma_start3A_84 = tpu.memref_slice %arg8[%add3A_5, %dma_start3A] : memref<10240x32xf32, #tpu.memory_space<vmem_shared>> -> memref<128x32xf32, #tpu.memory_space<vmem_shared>>
      %dma_start3A_85 = arith.constant 0 : i32
      %dma_start3A_86 = tpu.memref_slice %arg8[%add3A_5, %dma_start3A_85] : memref<10240x32xf32, #tpu.memory_space<vmem_shared>> -> memref<128x32xf32, #tpu.memory_space<vmem_shared>>
      tpu.enqueue_dma source(%arg7 : memref<128x32xf32, #tpu.memory_space<vmem>>) target(%dma_start3A_86 : memref<128x32xf32, #tpu.memory_space<vmem_shared>>) target_semaphore(%run_scoped3A : memref<!tpu.dma_semaphore, #tpu.memory_space<semaphore_mem>>)
      %dma_wait3A = arith.constant 0 : i32
      %dma_wait3A_87 = tpu.memref_slice %arg8[%add3A_5, %dma_wait3A] : memref<10240x32xf32, #tpu.memory_space<vmem_shared>> -> memref<128x32xf32, #tpu.memory_space<vmem_shared>>
      %dma_wait3A_88 = arith.constant 0 : i32
      %dma_wait3A_89 = tpu.memref_slice %arg8[%add3A_5, %dma_wait3A_88] : memref<10240x32xf32, #tpu.memory_space<vmem_shared>> -> memref<128x32xf32, #tpu.memory_space<vmem_shared>>
      tpu.wait_dma2 semaphore(%run_scoped3A : memref<!tpu.dma_semaphore, #tpu.memory_space<semaphore_mem>>) src(%arg7 : memref<128x32xf32, #tpu.memory_space<vmem>>) dst(%dma_wait3A_89 : memref<128x32xf32, #tpu.memory_space<vmem_shared>>)
      tpu.yield
    }) : () -> ()
    %mul3A_6 = arith.constant 640 : i32
    %mul3A_7 = arith.muli %arg1, %mul3A_6 : i32
    %add3A_8 = arith.constant 256 : i32
    %add3A_9 = arith.addi %mul3A_7, %add3A_8 : i32
    "tpu.region"() ({
      %run_scoped3A = tpu.sem_alloc : memref<!tpu.dma_semaphore, #tpu.memory_space<semaphore_mem>>
      %dma_start3A = arith.constant 0 : i32
      %dma_start3A_84 = tpu.memref_slice %arg8[%add3A_9, %dma_start3A] : memref<10240x32xf32, #tpu.memory_space<vmem_shared>> -> memref<128x32xf32, #tpu.memory_space<vmem_shared>>
      %dma_start3A_85 = arith.constant 0 : i32
      %dma_start3A_86 = tpu.memref_slice %arg8[%add3A_9, %dma_start3A_85] : memref<10240x32xf32, #tpu.memory_space<vmem_shared>> -> memref<128x32xf32, #tpu.memory_space<vmem_shared>>
      tpu.enqueue_dma source(%arg7 : memref<128x32xf32, #tpu.memory_space<vmem>>) target(%dma_start3A_86 : memref<128x32xf32, #tpu.memory_space<vmem_shared>>) target_semaphore(%run_scoped3A : memref<!tpu.dma_semaphore, #tpu.memory_space<semaphore_mem>>)
      %dma_wait3A = arith.constant 0 : i32
      %dma_wait3A_87 = tpu.memref_slice %arg8[%add3A_9, %dma_wait3A] : memref<10240x32xf32, #tpu.memory_space<vmem_shared>> -> memref<128x32xf32, #tpu.memory_space<vmem_shared>>
      %dma_wait3A_88 = arith.constant 0 : i32
      %dma_wait3A_89 = tpu.memref_slice %arg8[%add3A_9, %dma_wait3A_88] : memref<10240x32xf32, #tpu.memory_space<vmem_shared>> -> memref<128x32xf32, #tpu.memory_space<vmem_shared>>
      tpu.wait_dma2 semaphore(%run_scoped3A : memref<!tpu.dma_semaphore, #tpu.memory_space<semaphore_mem>>) src(%arg7 : memref<128x32xf32, #tpu.memory_space<vmem>>) dst(%dma_wait3A_89 : memref<128x32xf32, #tpu.memory_space<vmem_shared>>)
      tpu.yield
    }) : () -> ()
    %mul3A_10 = arith.constant 640 : i32
    %mul3A_11 = arith.muli %arg1, %mul3A_10 : i32
    %add3A_12 = arith.constant 384 : i32
    %add3A_13 = arith.addi %mul3A_11, %add3A_12 : i32
    "tpu.region"() ({
      %run_scoped3A = tpu.sem_alloc : memref<!tpu.dma_semaphore, #tpu.memory_space<semaphore_mem>>
      %dma_start3A = arith.constant 0 : i32
      %dma_start3A_84 = tpu.memref_slice %arg8[%add3A_13, %dma_start3A] : memref<10240x32xf32, #tpu.memory_space<vmem_shared>> -> memref<128x32xf32, #tpu.memory_space<vmem_shared>>
      %dma_start3A_85 = arith.constant 0 : i32
      %dma_start3A_86 = tpu.memref_slice %arg8[%add3A_13, %dma_start3A_85] : memref<10240x32xf32, #tpu.memory_space<vmem_shared>> -> memref<128x32xf32, #tpu.memory_space<vmem_shared>>
      tpu.enqueue_dma source(%arg7 : memref<128x32xf32, #tpu.memory_space<vmem>>) target(%dma_start3A_86 : memref<128x32xf32, #tpu.memory_space<vmem_shared>>) target_semaphore(%run_scoped3A : memref<!tpu.dma_semaphore, #tpu.memory_space<semaphore_mem>>)
      %dma_wait3A = arith.constant 0 : i32
      %dma_wait3A_87 = tpu.memref_slice %arg8[%add3A_13, %dma_wait3A] : memref<10240x32xf32, #tpu.memory_space<vmem_shared>> -> memref<128x32xf32, #tpu.memory_space<vmem_shared>>
      %dma_wait3A_88 = arith.constant 0 : i32
      %dma_wait3A_89 = tpu.memref_slice %arg8[%add3A_13, %dma_wait3A_88] : memref<10240x32xf32, #tpu.memory_space<vmem_shared>> -> memref<128x32xf32, #tpu.memory_space<vmem_shared>>
      tpu.wait_dma2 semaphore(%run_scoped3A : memref<!tpu.dma_semaphore, #tpu.memory_space<semaphore_mem>>) src(%arg7 : memref<128x32xf32, #tpu.memory_space<vmem>>) dst(%dma_wait3A_89 : memref<128x32xf32, #tpu.memory_space<vmem_shared>>)
      tpu.yield
    }) : () -> ()
    %mul3A_14 = arith.constant 640 : i32
    %mul3A_15 = arith.muli %arg1, %mul3A_14 : i32
    %add3A_16 = arith.constant 512 : i32
    %add3A_17 = arith.addi %mul3A_15, %add3A_16 : i32
    "tpu.region"() ({
      %run_scoped3A = tpu.sem_alloc : memref<!tpu.dma_semaphore, #tpu.memory_space<semaphore_mem>>
      %dma_start3A = arith.constant 0 : i32
      %dma_start3A_84 = tpu.memref_slice %arg8[%add3A_17, %dma_start3A] : memref<10240x32xf32, #tpu.memory_space<vmem_shared>> -> memref<128x32xf32, #tpu.memory_space<vmem_shared>>
      %dma_start3A_85 = arith.constant 0 : i32
      %dma_start3A_86 = tpu.memref_slice %arg8[%add3A_17, %dma_start3A_85] : memref<10240x32xf32, #tpu.memory_space<vmem_shared>> -> memref<128x32xf32, #tpu.memory_space<vmem_shared>>
      tpu.enqueue_dma source(%arg7 : memref<128x32xf32, #tpu.memory_space<vmem>>) target(%dma_start3A_86 : memref<128x32xf32, #tpu.memory_space<vmem_shared>>) target_semaphore(%run_scoped3A : memref<!tpu.dma_semaphore, #tpu.memory_space<semaphore_mem>>)
      %dma_wait3A = arith.constant 0 : i32
      %dma_wait3A_87 = tpu.memref_slice %arg8[%add3A_17, %dma_wait3A] : memref<10240x32xf32, #tpu.memory_space<vmem_shared>> -> memref<128x32xf32, #tpu.memory_space<vmem_shared>>
      %dma_wait3A_88 = arith.constant 0 : i32
      %dma_wait3A_89 = tpu.memref_slice %arg8[%add3A_17, %dma_wait3A_88] : memref<10240x32xf32, #tpu.memory_space<vmem_shared>> -> memref<128x32xf32, #tpu.memory_space<vmem_shared>>
      tpu.wait_dma2 semaphore(%run_scoped3A : memref<!tpu.dma_semaphore, #tpu.memory_space<semaphore_mem>>) src(%arg7 : memref<128x32xf32, #tpu.memory_space<vmem>>) dst(%dma_wait3A_89 : memref<128x32xf32, #tpu.memory_space<vmem_shared>>)
      tpu.yield
    }) : () -> ()
    "tpu.region"() ({
      %run_scoped3A = tpu.sem_alloc : memref<!tpu.dma_semaphore, #tpu.memory_space<semaphore_mem>>
      %dma_start3A = arith.constant 0 : i32
      %dma_start3A_84 = arith.constant 0 : i32
      %dma_start3A_85 = tpu.memref_slice %arg3[%dma_start3A, %dma_start3A_84] : memref<256x32xf32, #tpu.memory_space<hbm>> -> memref<128x32xf32, #tpu.memory_space<hbm>>
      %dma_start3A_86 = arith.constant 0 : i32
      %dma_start3A_87 = arith.constant 0 : i32
      %dma_start3A_88 = tpu.memref_slice %arg3[%dma_start3A_86, %dma_start3A_87] : memref<256x32xf32, #tpu.memory_space<hbm>> -> memref<128x32xf32, #tpu.memory_space<hbm>>
      tpu.enqueue_dma source(%dma_start3A_88 : memref<128x32xf32, #tpu.memory_space<hbm>>) target(%arg6 : memref<128x32xf32, #tpu.memory_space<vmem>>) target_semaphore(%run_scoped3A : memref<!tpu.dma_semaphore, #tpu.memory_space<semaphore_mem>>)
      %dma_wait3A = arith.constant 0 : i32
      %dma_wait3A_89 = arith.constant 0 : i32
      %dma_wait3A_90 = tpu.memref_slice %arg3[%dma_wait3A, %dma_wait3A_89] : memref<256x32xf32, #tpu.memory_space<hbm>> -> memref<128x32xf32, #tpu.memory_space<hbm>>
      %dma_wait3A_91 = arith.constant 0 : i32
      %dma_wait3A_92 = arith.constant 0 : i32
      %dma_wait3A_93 = tpu.memref_slice %arg3[%dma_wait3A_91, %dma_wait3A_92] : memref<256x32xf32, #tpu.memory_space<hbm>> -> memref<128x32xf32, #tpu.memory_space<hbm>>
      tpu.wait_dma2 semaphore(%run_scoped3A : memref<!tpu.dma_semaphore, #tpu.memory_space<semaphore_mem>>) src(%dma_wait3A_93 : memref<128x32xf32, #tpu.memory_space<hbm>>) dst(%arg6 : memref<128x32xf32, #tpu.memory_space<vmem>>)
      tpu.yield
    }) : () -> ()
    %barrier3A = arith.constant 0 : index
    tpu.barrier barrier_id(%barrier3A)
    %mul3A_18 = arith.constant 16 : i32
    %mul3A_19 = arith.muli %arg0, %mul3A_18 : i32
    %add3A_20 = arith.addi %mul3A_19, %arg1 : i32
    %mul3A_21 = arith.constant 10112 : i32
    %mul3A_22 = arith.muli %add3A_20, %mul3A_21 : i32
    %scan3A = arith.constant 0 : i32
    %scan3A_23 = arith.constant 0 : i32
    %scan3A_24 = arith.constant 79 : i32
    %scan3A_25 = arith.addi %scan3A_23, %scan3A_24 : i32
    %scan3A_26 = arith.constant 1 : i32
    scf.for %scan3A_84 = %scan3A_23 to %scan3A_25 step %scan3A_26  : i32 {
      %mul3A_85 = arith.constant 128 : i32
      %mul3A_86 = arith.muli %scan3A_84, %mul3A_85 : i32
      %add3A_87 = arith.addi %mul3A_22, %mul3A_86 : i32
      "tpu.region"() ({
        %run_scoped3A = tpu.sem_alloc : memref<!tpu.dma_semaphore, #tpu.memory_space<semaphore_mem>>
        %dma_start3A = tpu.memref_slice %arg2[%add3A_87] : memref<323584xi32, #tpu.memory_space<hbm>> -> memref<128xi32, #tpu.memory_space<hbm>>
        %dma_start3A_88 = tpu.memref_slice %arg2[%add3A_87] : memref<323584xi32, #tpu.memory_space<hbm>> -> memref<128xi32, #tpu.memory_space<hbm>>
        tpu.enqueue_dma source(%dma_start3A_88 : memref<128xi32, #tpu.memory_space<hbm>>) target(%arg5 : memref<128xi32, #tpu.memory_space<vmem>>) target_semaphore(%run_scoped3A : memref<!tpu.dma_semaphore, #tpu.memory_space<semaphore_mem>>)
        %dma_wait3A = tpu.memref_slice %arg2[%add3A_87] : memref<323584xi32, #tpu.memory_space<hbm>> -> memref<128xi32, #tpu.memory_space<hbm>>
        %dma_wait3A_89 = tpu.memref_slice %arg2[%add3A_87] : memref<323584xi32, #tpu.memory_space<hbm>> -> memref<128xi32, #tpu.memory_space<hbm>>
        tpu.wait_dma2 semaphore(%run_scoped3A : memref<!tpu.dma_semaphore, #tpu.memory_space<semaphore_mem>>) src(%dma_wait3A_89 : memref<128xi32, #tpu.memory_space<hbm>>) dst(%arg5 : memref<128xi32, #tpu.memory_space<vmem>>)
        tpu.yield
      }) : () -> ()
      "tpu.region"() ({
        %run_scoped3A = tpu.sem_alloc : memref<!tpu.dma_semaphore, #tpu.memory_space<semaphore_mem>>
        %dma_start3A = arith.constant 0 : i32
        %dma_start3A_88 = arith.constant 0 : i32
        %dma_start3A_89 = tpu.memref_slice %arg8[%dma_start3A, %dma_start3A_88] : memref<10240x32xf32, #tpu.memory_space<vmem_shared>> -> memref<10240x32xf32, #tpu.memory_space<vmem_shared>>
        tpu.enqueue_indirect_dma source(%arg6 : memref<128x32xf32, #tpu.memory_space<vmem>>) target(%dma_start3A_89 : memref<10240x32xf32, #tpu.memory_space<vmem_shared>>) offsets(%arg5 : memref<128xi32, #tpu.memory_space<vmem>>) semaphore(%run_scoped3A : memref<!tpu.dma_semaphore, #tpu.memory_space<semaphore_mem>>) {add = true}
        %dma_wait3A = arith.constant 0 : i32
        %dma_wait3A_90 = arith.constant 0 : i32
        %dma_wait3A_91 = tpu.memref_slice %arg8[%dma_wait3A, %dma_wait3A_90] : memref<10240x32xf32, #tpu.memory_space<vmem_shared>> -> memref<10240x32xf32, #tpu.memory_space<vmem_shared>>
        tpu.wait_indirect_dma semaphore(%run_scoped3A : memref<!tpu.dma_semaphore, #tpu.memory_space<semaphore_mem>>) src(%arg6 : memref<128x32xf32, #tpu.memory_space<vmem>>) dst(%dma_wait3A_91 : memref<10240x32xf32, #tpu.memory_space<vmem_shared>>)
        tpu.yield
      }) : () -> ()
    }
    %scan3A_27 = arith.constant 79 : i32
    %barrier3A_28 = arith.constant 0 : index
    tpu.barrier barrier_id(%barrier3A_28)
    %mul3A_29 = arith.constant 640 : i32
    %mul3A_30 = arith.muli %arg1, %mul3A_29 : i32
    %add3A_31 = arith.constant 0 : i32
    %add3A_32 = arith.addi %mul3A_30, %add3A_31 : i32
    "tpu.region"() ({
      %run_scoped3A = tpu.sem_alloc : memref<!tpu.dma_semaphore, #tpu.memory_space<semaphore_mem>>
      %dma_start3A = arith.constant 0 : i32
      %dma_start3A_84 = tpu.memref_slice %arg8[%add3A_32, %dma_start3A] : memref<10240x32xf32, #tpu.memory_space<vmem_shared>> -> memref<128x32xf32, #tpu.memory_space<vmem_shared>>
      %dma_start3A_85 = arith.constant 0 : i32
      %dma_start3A_86 = tpu.memref_slice %arg8[%add3A_32, %dma_start3A_85] : memref<10240x32xf32, #tpu.memory_space<vmem_shared>> -> memref<128x32xf32, #tpu.memory_space<vmem_shared>>
      tpu.enqueue_dma source(%dma_start3A_86 : memref<128x32xf32, #tpu.memory_space<vmem_shared>>) target(%arg7 : memref<128x32xf32, #tpu.memory_space<vmem>>) target_semaphore(%run_scoped3A : memref<!tpu.dma_semaphore, #tpu.memory_space<semaphore_mem>>)
      %dma_wait3A = arith.constant 0 : i32
      %dma_wait3A_87 = tpu.memref_slice %arg8[%add3A_32, %dma_wait3A] : memref<10240x32xf32, #tpu.memory_space<vmem_shared>> -> memref<128x32xf32, #tpu.memory_space<vmem_shared>>
      %dma_wait3A_88 = arith.constant 0 : i32
      %dma_wait3A_89 = tpu.memref_slice %arg8[%add3A_32, %dma_wait3A_88] : memref<10240x32xf32, #tpu.memory_space<vmem_shared>> -> memref<128x32xf32, #tpu.memory_space<vmem_shared>>
      tpu.wait_dma2 semaphore(%run_scoped3A : memref<!tpu.dma_semaphore, #tpu.memory_space<semaphore_mem>>) src(%dma_wait3A_89 : memref<128x32xf32, #tpu.memory_space<vmem_shared>>) dst(%arg7 : memref<128x32xf32, #tpu.memory_space<vmem>>)
      tpu.yield
    }) : () -> ()
    %mul3A_33 = arith.constant 10240 : i32
    %mul3A_34 = arith.muli %arg0, %mul3A_33 : i32
    %mul3A_35 = arith.constant 640 : i32
    %mul3A_36 = arith.muli %arg1, %mul3A_35 : i32
    %add3A_37 = arith.addi %mul3A_34, %mul3A_36 : i32
    %add3A_38 = arith.constant 0 : i32
    %add3A_39 = arith.addi %add3A_37, %add3A_38 : i32
    "tpu.region"() ({
      %run_scoped3A = tpu.sem_alloc : memref<!tpu.dma_semaphore, #tpu.memory_space<semaphore_mem>>
      %dma_start3A = arith.constant 0 : i32
      %dma_start3A_84 = tpu.memref_slice %arg4[%add3A_39, %dma_start3A] : memref<20480x32xf32, #tpu.memory_space<hbm>> -> memref<128x32xf32, #tpu.memory_space<hbm>>
      %dma_start3A_85 = arith.constant 0 : i32
      %dma_start3A_86 = tpu.memref_slice %arg4[%add3A_39, %dma_start3A_85] : memref<20480x32xf32, #tpu.memory_space<hbm>> -> memref<128x32xf32, #tpu.memory_space<hbm>>
      tpu.enqueue_dma source(%arg7 : memref<128x32xf32, #tpu.memory_space<vmem>>) target(%dma_start3A_86 : memref<128x32xf32, #tpu.memory_space<hbm>>) target_semaphore(%run_scoped3A : memref<!tpu.dma_semaphore, #tpu.memory_space<semaphore_mem>>)
      %dma_wait3A = arith.constant 0 : i32
      %dma_wait3A_87 = tpu.memref_slice %arg4[%add3A_39, %dma_wait3A] : memref<20480x32xf32, #tpu.memory_space<hbm>> -> memref<128x32xf32, #tpu.memory_space<hbm>>
      %dma_wait3A_88 = arith.constant 0 : i32
      %dma_wait3A_89 = tpu.memref_slice %arg4[%add3A_39, %dma_wait3A_88] : memref<20480x32xf32, #tpu.memory_space<hbm>> -> memref<128x32xf32, #tpu.memory_space<hbm>>
      tpu.wait_dma2 semaphore(%run_scoped3A : memref<!tpu.dma_semaphore, #tpu.memory_space<semaphore_mem>>) src(%arg7 : memref<128x32xf32, #tpu.memory_space<vmem>>) dst(%dma_wait3A_89 : memref<128x32xf32, #tpu.memory_space<hbm>>)
      tpu.yield
    }) : () -> ()
    %mul3A_40 = arith.constant 640 : i32
    %mul3A_41 = arith.muli %arg1, %mul3A_40 : i32
    %add3A_42 = arith.constant 128 : i32
    %add3A_43 = arith.addi %mul3A_41, %add3A_42 : i32
    "tpu.region"() ({
      %run_scoped3A = tpu.sem_alloc : memref<!tpu.dma_semaphore, #tpu.memory_space<semaphore_mem>>
      %dma_start3A = arith.constant 0 : i32
      %dma_start3A_84 = tpu.memref_slice %arg8[%add3A_43, %dma_start3A] : memref<10240x32xf32, #tpu.memory_space<vmem_shared>> -> memref<128x32xf32, #tpu.memory_space<vmem_shared>>
      %dma_start3A_85 = arith.constant 0 : i32
      %dma_start3A_86 = tpu.memref_slice %arg8[%add3A_43, %dma_start3A_85] : memref<10240x32xf32, #tpu.memory_space<vmem_shared>> -> memref<128x32xf32, #tpu.memory_space<vmem_shared>>
      tpu.enqueue_dma source(%dma_start3A_86 : memref<128x32xf32, #tpu.memory_space<vmem_shared>>) target(%arg7 : memref<128x32xf32, #tpu.memory_space<vmem>>) target_semaphore(%run_scoped3A : memref<!tpu.dma_semaphore, #tpu.memory_space<semaphore_mem>>)
      %dma_wait3A = arith.constant 0 : i32
      %dma_wait3A_87 = tpu.memref_slice %arg8[%add3A_43, %dma_wait3A] : memref<10240x32xf32, #tpu.memory_space<vmem_shared>> -> memref<128x32xf32, #tpu.memory_space<vmem_shared>>
      %dma_wait3A_88 = arith.constant 0 : i32
      %dma_wait3A_89 = tpu.memref_slice %arg8[%add3A_43, %dma_wait3A_88] : memref<10240x32xf32, #tpu.memory_space<vmem_shared>> -> memref<128x32xf32, #tpu.memory_space<vmem_shared>>
      tpu.wait_dma2 semaphore(%run_scoped3A : memref<!tpu.dma_semaphore, #tpu.memory_space<semaphore_mem>>) src(%dma_wait3A_89 : memref<128x32xf32, #tpu.memory_space<vmem_shared>>) dst(%arg7 : memref<128x32xf32, #tpu.memory_space<vmem>>)
      tpu.yield
    }) : () -> ()
    %mul3A_44 = arith.constant 10240 : i32
    %mul3A_45 = arith.muli %arg0, %mul3A_44 : i32
    %mul3A_46 = arith.constant 640 : i32
    %mul3A_47 = arith.muli %arg1, %mul3A_46 : i32
    %add3A_48 = arith.addi %mul3A_45, %mul3A_47 : i32
    %add3A_49 = arith.constant 128 : i32
    %add3A_50 = arith.addi %add3A_48, %add3A_49 : i32
    "tpu.region"() ({
      %run_scoped3A = tpu.sem_alloc : memref<!tpu.dma_semaphore, #tpu.memory_space<semaphore_mem>>
      %dma_start3A = arith.constant 0 : i32
      %dma_start3A_84 = tpu.memref_slice %arg4[%add3A_50, %dma_start3A] : memref<20480x32xf32, #tpu.memory_space<hbm>> -> memref<128x32xf32, #tpu.memory_space<hbm>>
      %dma_start3A_85 = arith.constant 0 : i32
      %dma_start3A_86 = tpu.memref_slice %arg4[%add3A_50, %dma_start3A_85] : memref<20480x32xf32, #tpu.memory_space<hbm>> -> memref<128x32xf32, #tpu.memory_space<hbm>>
      tpu.enqueue_dma source(%arg7 : memref<128x32xf32, #tpu.memory_space<vmem>>) target(%dma_start3A_86 : memref<128x32xf32, #tpu.memory_space<hbm>>) target_semaphore(%run_scoped3A : memref<!tpu.dma_semaphore, #tpu.memory_space<semaphore_mem>>)
      %dma_wait3A = arith.constant 0 : i32
      %dma_wait3A_87 = tpu.memref_slice %arg4[%add3A_50, %dma_wait3A] : memref<20480x32xf32, #tpu.memory_space<hbm>> -> memref<128x32xf32, #tpu.memory_space<hbm>>
      %dma_wait3A_88 = arith.constant 0 : i32
      %dma_wait3A_89 = tpu.memref_slice %arg4[%add3A_50, %dma_wait3A_88] : memref<20480x32xf32, #tpu.memory_space<hbm>> -> memref<128x32xf32, #tpu.memory_space<hbm>>
      tpu.wait_dma2 semaphore(%run_scoped3A : memref<!tpu.dma_semaphore, #tpu.memory_space<semaphore_mem>>) src(%arg7 : memref<128x32xf32, #tpu.memory_space<vmem>>) dst(%dma_wait3A_89 : memref<128x32xf32, #tpu.memory_space<hbm>>)
      tpu.yield
    }) : () -> ()
    %mul3A_51 = arith.constant 640 : i32
    %mul3A_52 = arith.muli %arg1, %mul3A_51 : i32
    %add3A_53 = arith.constant 256 : i32
    %add3A_54 = arith.addi %mul3A_52, %add3A_53 : i32
    "tpu.region"() ({
      %run_scoped3A = tpu.sem_alloc : memref<!tpu.dma_semaphore, #tpu.memory_space<semaphore_mem>>
      %dma_start3A = arith.constant 0 : i32
      %dma_start3A_84 = tpu.memref_slice %arg8[%add3A_54, %dma_start3A] : memref<10240x32xf32, #tpu.memory_space<vmem_shared>> -> memref<128x32xf32, #tpu.memory_space<vmem_shared>>
      %dma_start3A_85 = arith.constant 0 : i32
      %dma_start3A_86 = tpu.memref_slice %arg8[%add3A_54, %dma_start3A_85] : memref<10240x32xf32, #tpu.memory_space<vmem_shared>> -> memref<128x32xf32, #tpu.memory_space<vmem_shared>>
      tpu.enqueue_dma source(%dma_start3A_86 : memref<128x32xf32, #tpu.memory_space<vmem_shared>>) target(%arg7 : memref<128x32xf32, #tpu.memory_space<vmem>>) target_semaphore(%run_scoped3A : memref<!tpu.dma_semaphore, #tpu.memory_space<semaphore_mem>>)
      %dma_wait3A = arith.constant 0 : i32
      %dma_wait3A_87 = tpu.memref_slice %arg8[%add3A_54, %dma_wait3A] : memref<10240x32xf32, #tpu.memory_space<vmem_shared>> -> memref<128x32xf32, #tpu.memory_space<vmem_shared>>
      %dma_wait3A_88 = arith.constant 0 : i32
      %dma_wait3A_89 = tpu.memref_slice %arg8[%add3A_54, %dma_wait3A_88] : memref<10240x32xf32, #tpu.memory_space<vmem_shared>> -> memref<128x32xf32, #tpu.memory_space<vmem_shared>>
      tpu.wait_dma2 semaphore(%run_scoped3A : memref<!tpu.dma_semaphore, #tpu.memory_space<semaphore_mem>>) src(%dma_wait3A_89 : memref<128x32xf32, #tpu.memory_space<vmem_shared>>) dst(%arg7 : memref<128x32xf32, #tpu.memory_space<vmem>>)
      tpu.yield
    }) : () -> ()
    %mul3A_55 = arith.constant 10240 : i32
    %mul3A_56 = arith.muli %arg0, %mul3A_55 : i32
    %mul3A_57 = arith.constant 640 : i32
    %mul3A_58 = arith.muli %arg1, %mul3A_57 : i32
    %add3A_59 = arith.addi %mul3A_56, %mul3A_58 : i32
    %add3A_60 = arith.constant 256 : i32
    %add3A_61 = arith.addi %add3A_59, %add3A_60 : i32
    "tpu.region"() ({
      %run_scoped3A = tpu.sem_alloc : memref<!tpu.dma_semaphore, #tpu.memory_space<semaphore_mem>>
      %dma_start3A = arith.constant 0 : i32
      %dma_start3A_84 = tpu.memref_slice %arg4[%add3A_61, %dma_start3A] : memref<20480x32xf32, #tpu.memory_space<hbm>> -> memref<128x32xf32, #tpu.memory_space<hbm>>
      %dma_start3A_85 = arith.constant 0 : i32
      %dma_start3A_86 = tpu.memref_slice %arg4[%add3A_61, %dma_start3A_85] : memref<20480x32xf32, #tpu.memory_space<hbm>> -> memref<128x32xf32, #tpu.memory_space<hbm>>
      tpu.enqueue_dma source(%arg7 : memref<128x32xf32, #tpu.memory_space<vmem>>) target(%dma_start3A_86 : memref<128x32xf32, #tpu.memory_space<hbm>>) target_semaphore(%run_scoped3A : memref<!tpu.dma_semaphore, #tpu.memory_space<semaphore_mem>>)
      %dma_wait3A = arith.constant 0 : i32
      %dma_wait3A_87 = tpu.memref_slice %arg4[%add3A_61, %dma_wait3A] : memref<20480x32xf32, #tpu.memory_space<hbm>> -> memref<128x32xf32, #tpu.memory_space<hbm>>
      %dma_wait3A_88 = arith.constant 0 : i32
      %dma_wait3A_89 = tpu.memref_slice %arg4[%add3A_61, %dma_wait3A_88] : memref<20480x32xf32, #tpu.memory_space<hbm>> -> memref<128x32xf32, #tpu.memory_space<hbm>>
      tpu.wait_dma2 semaphore(%run_scoped3A : memref<!tpu.dma_semaphore, #tpu.memory_space<semaphore_mem>>) src(%arg7 : memref<128x32xf32, #tpu.memory_space<vmem>>) dst(%dma_wait3A_89 : memref<128x32xf32, #tpu.memory_space<hbm>>)
      tpu.yield
    }) : () -> ()
    %mul3A_62 = arith.constant 640 : i32
    %mul3A_63 = arith.muli %arg1, %mul3A_62 : i32
    %add3A_64 = arith.constant 384 : i32
    %add3A_65 = arith.addi %mul3A_63, %add3A_64 : i32
    "tpu.region"() ({
      %run_scoped3A = tpu.sem_alloc : memref<!tpu.dma_semaphore, #tpu.memory_space<semaphore_mem>>
      %dma_start3A = arith.constant 0 : i32
      %dma_start3A_84 = tpu.memref_slice %arg8[%add3A_65, %dma_start3A] : memref<10240x32xf32, #tpu.memory_space<vmem_shared>> -> memref<128x32xf32, #tpu.memory_space<vmem_shared>>
      %dma_start3A_85 = arith.constant 0 : i32
      %dma_start3A_86 = tpu.memref_slice %arg8[%add3A_65, %dma_start3A_85] : memref<10240x32xf32, #tpu.memory_space<vmem_shared>> -> memref<128x32xf32, #tpu.memory_space<vmem_shared>>
      tpu.enqueue_dma source(%dma_start3A_86 : memref<128x32xf32, #tpu.memory_space<vmem_shared>>) target(%arg7 : memref<128x32xf32, #tpu.memory_space<vmem>>) target_semaphore(%run_scoped3A : memref<!tpu.dma_semaphore, #tpu.memory_space<semaphore_mem>>)
      %dma_wait3A = arith.constant 0 : i32
      %dma_wait3A_87 = tpu.memref_slice %arg8[%add3A_65, %dma_wait3A] : memref<10240x32xf32, #tpu.memory_space<vmem_shared>> -> memref<128x32xf32, #tpu.memory_space<vmem_shared>>
      %dma_wait3A_88 = arith.constant 0 : i32
      %dma_wait3A_89 = tpu.memref_slice %arg8[%add3A_65, %dma_wait3A_88] : memref<10240x32xf32, #tpu.memory_space<vmem_shared>> -> memref<128x32xf32, #tpu.memory_space<vmem_shared>>
      tpu.wait_dma2 semaphore(%run_scoped3A : memref<!tpu.dma_semaphore, #tpu.memory_space<semaphore_mem>>) src(%dma_wait3A_89 : memref<128x32xf32, #tpu.memory_space<vmem_shared>>) dst(%arg7 : memref<128x32xf32, #tpu.memory_space<vmem>>)
      tpu.yield
    }) : () -> ()
    %mul3A_66 = arith.constant 10240 : i32
    %mul3A_67 = arith.muli %arg0, %mul3A_66 : i32
    %mul3A_68 = arith.constant 640 : i32
    %mul3A_69 = arith.muli %arg1, %mul3A_68 : i32
    %add3A_70 = arith.addi %mul3A_67, %mul3A_69 : i32
    %add3A_71 = arith.constant 384 : i32
    %add3A_72 = arith.addi %add3A_70, %add3A_71 : i32
    "tpu.region"() ({
      %run_scoped3A = tpu.sem_alloc : memref<!tpu.dma_semaphore, #tpu.memory_space<semaphore_mem>>
      %dma_start3A = arith.constant 0 : i32
      %dma_start3A_84 = tpu.memref_slice %arg4[%add3A_72, %dma_start3A] : memref<20480x32xf32, #tpu.memory_space<hbm>> -> memref<128x32xf32, #tpu.memory_space<hbm>>
      %dma_start3A_85 = arith.constant 0 : i32
      %dma_start3A_86 = tpu.memref_slice %arg4[%add3A_72, %dma_start3A_85] : memref<20480x32xf32, #tpu.memory_space<hbm>> -> memref<128x32xf32, #tpu.memory_space<hbm>>
      tpu.enqueue_dma source(%arg7 : memref<128x32xf32, #tpu.memory_space<vmem>>) target(%dma_start3A_86 : memref<128x32xf32, #tpu.memory_space<hbm>>) target_semaphore(%run_scoped3A : memref<!tpu.dma_semaphore, #tpu.memory_space<semaphore_mem>>)
      %dma_wait3A = arith.constant 0 : i32
      %dma_wait3A_87 = tpu.memref_slice %arg4[%add3A_72, %dma_wait3A] : memref<20480x32xf32, #tpu.memory_space<hbm>> -> memref<128x32xf32, #tpu.memory_space<hbm>>
      %dma_wait3A_88 = arith.constant 0 : i32
      %dma_wait3A_89 = tpu.memref_slice %arg4[%add3A_72, %dma_wait3A_88] : memref<20480x32xf32, #tpu.memory_space<hbm>> -> memref<128x32xf32, #tpu.memory_space<hbm>>
      tpu.wait_dma2 semaphore(%run_scoped3A : memref<!tpu.dma_semaphore, #tpu.memory_space<semaphore_mem>>) src(%arg7 : memref<128x32xf32, #tpu.memory_space<vmem>>) dst(%dma_wait3A_89 : memref<128x32xf32, #tpu.memory_space<hbm>>)
      tpu.yield
    }) : () -> ()
    %mul3A_73 = arith.constant 640 : i32
    %mul3A_74 = arith.muli %arg1, %mul3A_73 : i32
    %add3A_75 = arith.constant 512 : i32
    %add3A_76 = arith.addi %mul3A_74, %add3A_75 : i32
    "tpu.region"() ({
      %run_scoped3A = tpu.sem_alloc : memref<!tpu.dma_semaphore, #tpu.memory_space<semaphore_mem>>
      %dma_start3A = arith.constant 0 : i32
      %dma_start3A_84 = tpu.memref_slice %arg8[%add3A_76, %dma_start3A] : memref<10240x32xf32, #tpu.memory_space<vmem_shared>> -> memref<128x32xf32, #tpu.memory_space<vmem_shared>>
      %dma_start3A_85 = arith.constant 0 : i32
      %dma_start3A_86 = tpu.memref_slice %arg8[%add3A_76, %dma_start3A_85] : memref<10240x32xf32, #tpu.memory_space<vmem_shared>> -> memref<128x32xf32, #tpu.memory_space<vmem_shared>>
      tpu.enqueue_dma source(%dma_start3A_86 : memref<128x32xf32, #tpu.memory_space<vmem_shared>>) target(%arg7 : memref<128x32xf32, #tpu.memory_space<vmem>>) target_semaphore(%run_scoped3A : memref<!tpu.dma_semaphore, #tpu.memory_space<semaphore_mem>>)
      %dma_wait3A = arith.constant 0 : i32
      %dma_wait3A_87 = tpu.memref_slice %arg8[%add3A_76, %dma_wait3A] : memref<10240x32xf32, #tpu.memory_space<vmem_shared>> -> memref<128x32xf32, #tpu.memory_space<vmem_shared>>
      %dma_wait3A_88 = arith.constant 0 : i32
      %dma_wait3A_89 = tpu.memref_slice %arg8[%add3A_76, %dma_wait3A_88] : memref<10240x32xf32, #tpu.memory_space<vmem_shared>> -> memref<128x32xf32, #tpu.memory_space<vmem_shared>>
      tpu.wait_dma2 semaphore(%run_scoped3A : memref<!tpu.dma_semaphore, #tpu.memory_space<semaphore_mem>>) src(%dma_wait3A_89 : memref<128x32xf32, #tpu.memory_space<vmem_shared>>) dst(%arg7 : memref<128x32xf32, #tpu.memory_space<vmem>>)
      tpu.yield
    }) : () -> ()
    %mul3A_77 = arith.constant 10240 : i32
    %mul3A_78 = arith.muli %arg0, %mul3A_77 : i32
    %mul3A_79 = arith.constant 640 : i32
    %mul3A_80 = arith.muli %arg1, %mul3A_79 : i32
    %add3A_81 = arith.addi %mul3A_78, %mul3A_80 : i32
    %add3A_82 = arith.constant 512 : i32
    %add3A_83 = arith.addi %add3A_81, %add3A_82 : i32
    "tpu.region"() ({
      %run_scoped3A = tpu.sem_alloc : memref<!tpu.dma_semaphore, #tpu.memory_space<semaphore_mem>>
      %dma_start3A = arith.constant 0 : i32
      %dma_start3A_84 = tpu.memref_slice %arg4[%add3A_83, %dma_start3A] : memref<20480x32xf32, #tpu.memory_space<hbm>> -> memref<128x32xf32, #tpu.memory_space<hbm>>
      %dma_start3A_85 = arith.constant 0 : i32
      %dma_start3A_86 = tpu.memref_slice %arg4[%add3A_83, %dma_start3A_85] : memref<20480x32xf32, #tpu.memory_space<hbm>> -> memref<128x32xf32, #tpu.memory_space<hbm>>
      tpu.enqueue_dma source(%arg7 : memref<128x32xf32, #tpu.memory_space<vmem>>) target(%dma_start3A_86 : memref<128x32xf32, #tpu.memory_space<hbm>>) target_semaphore(%run_scoped3A : memref<!tpu.dma_semaphore, #tpu.memory_space<semaphore_mem>>)
      %dma_wait3A = arith.constant 0 : i32
      %dma_wait3A_87 = tpu.memref_slice %arg4[%add3A_83, %dma_wait3A] : memref<20480x32xf32, #tpu.memory_space<hbm>> -> memref<128x32xf32, #tpu.memory_space<hbm>>
      %dma_wait3A_88 = arith.constant 0 : i32
      %dma_wait3A_89 = tpu.memref_slice %arg4[%add3A_83, %dma_wait3A_88] : memref<20480x32xf32, #tpu.memory_space<hbm>> -> memref<128x32xf32, #tpu.memory_space<hbm>>
      tpu.wait_dma2 semaphore(%run_scoped3A : memref<!tpu.dma_semaphore, #tpu.memory_space<semaphore_mem>>) src(%arg7 : memref<128x32xf32, #tpu.memory_space<vmem>>) dst(%dma_wait3A_89 : memref<128x32xf32, #tpu.memory_space<hbm>>)
      tpu.yield
    }) : () -> ()
    return
  }
}

#map = affine_map<(d0, d1) -> (0, 0)>
#map1 = affine_map<(d0, d1) -> (0)>
module attributes {stable_mosaic.version = 14 : i64} {
  func.func @sc_edge_agg(%arg0: i32, %arg1: i32, %arg2: memref<10000x128xf32, #tpu.memory_space<hbm>>, %arg3: memref<323584xi32, #tpu.memory_space<hbm>>, %arg4: memref<323584xi32, #tpu.memory_space<hbm>>, %arg5: memref<128x128xf32, #tpu.memory_space<hbm>>, %arg6: memref<20480x128xf32, #tpu.memory_space<hbm>>, %arg7: memref<128xi32, #tpu.memory_space<vmem>>, %arg8: memref<128xi32, #tpu.memory_space<vmem>>, %arg9: memref<128x128xf32, #tpu.memory_space<vmem>>, %arg10: memref<10240x128xf32, #tpu.memory_space<vmem_shared>>, %arg11: memref<!tpu.dma_semaphore, #tpu.memory_space<semaphore_mem>>) attributes {dimension_semantics = [#tpu.dimension_semantics<core_parallel>, #tpu.dimension_semantics<subcore_parallel>], iteration_bounds = array<i64: 2, 16>, scalar_prefetch = 0 : i64, scratch_operands = 5 : i64, tpu.core_type = #tpu.core_type<sc_vector_subcore>, window_params = [{transform_indices = #map}, {transform_indices = #map1}, {transform_indices = #map1}, {transform_indices = #map}, {transform_indices = #map}]} {
    "tpu.region"() ({
      %run_scoped3A = tpu.sem_alloc : memref<!tpu.dma_semaphore, #tpu.memory_space<semaphore_mem>>
      tpu.enqueue_dma source(%arg5 : memref<128x128xf32, #tpu.memory_space<hbm>>) target(%arg9 : memref<128x128xf32, #tpu.memory_space<vmem>>) target_semaphore(%run_scoped3A : memref<!tpu.dma_semaphore, #tpu.memory_space<semaphore_mem>>)
      tpu.wait_dma2 semaphore(%run_scoped3A : memref<!tpu.dma_semaphore, #tpu.memory_space<semaphore_mem>>) src(%arg5 : memref<128x128xf32, #tpu.memory_space<hbm>>) dst(%arg9 : memref<128x128xf32, #tpu.memory_space<vmem>>)
      tpu.yield
    }) : () -> ()
    %mul3A = arith.constant 640 : i32
    %mul3A_0 = arith.muli %arg1, %mul3A : i32
    %add3A = arith.constant 0 : i32
    %add3A_1 = arith.addi %mul3A_0, %add3A : i32
    "tpu.region"() ({
      %run_scoped3A = tpu.sem_alloc : memref<!tpu.dma_semaphore, #tpu.memory_space<semaphore_mem>>
      %dma_start3A = arith.constant 0 : i32
      %dma_start3A_84 = tpu.memref_slice %arg10[%add3A_1, %dma_start3A] : memref<10240x128xf32, #tpu.memory_space<vmem_shared>> -> memref<128x128xf32, #tpu.memory_space<vmem_shared>>
      %dma_start3A_85 = arith.constant 0 : i32
      %dma_start3A_86 = tpu.memref_slice %arg10[%add3A_1, %dma_start3A_85] : memref<10240x128xf32, #tpu.memory_space<vmem_shared>> -> memref<128x128xf32, #tpu.memory_space<vmem_shared>>
      tpu.enqueue_dma source(%arg9 : memref<128x128xf32, #tpu.memory_space<vmem>>) target(%dma_start3A_86 : memref<128x128xf32, #tpu.memory_space<vmem_shared>>) target_semaphore(%run_scoped3A : memref<!tpu.dma_semaphore, #tpu.memory_space<semaphore_mem>>)
      %dma_wait3A = arith.constant 0 : i32
      %dma_wait3A_87 = tpu.memref_slice %arg10[%add3A_1, %dma_wait3A] : memref<10240x128xf32, #tpu.memory_space<vmem_shared>> -> memref<128x128xf32, #tpu.memory_space<vmem_shared>>
      %dma_wait3A_88 = arith.constant 0 : i32
      %dma_wait3A_89 = tpu.memref_slice %arg10[%add3A_1, %dma_wait3A_88] : memref<10240x128xf32, #tpu.memory_space<vmem_shared>> -> memref<128x128xf32, #tpu.memory_space<vmem_shared>>
      tpu.wait_dma2 semaphore(%run_scoped3A : memref<!tpu.dma_semaphore, #tpu.memory_space<semaphore_mem>>) src(%arg9 : memref<128x128xf32, #tpu.memory_space<vmem>>) dst(%dma_wait3A_89 : memref<128x128xf32, #tpu.memory_space<vmem_shared>>)
      tpu.yield
    }) : () -> ()
    %mul3A_2 = arith.constant 640 : i32
    %mul3A_3 = arith.muli %arg1, %mul3A_2 : i32
    %add3A_4 = arith.constant 128 : i32
    %add3A_5 = arith.addi %mul3A_3, %add3A_4 : i32
    "tpu.region"() ({
      %run_scoped3A = tpu.sem_alloc : memref<!tpu.dma_semaphore, #tpu.memory_space<semaphore_mem>>
      %dma_start3A = arith.constant 0 : i32
      %dma_start3A_84 = tpu.memref_slice %arg10[%add3A_5, %dma_start3A] : memref<10240x128xf32, #tpu.memory_space<vmem_shared>> -> memref<128x128xf32, #tpu.memory_space<vmem_shared>>
      %dma_start3A_85 = arith.constant 0 : i32
      %dma_start3A_86 = tpu.memref_slice %arg10[%add3A_5, %dma_start3A_85] : memref<10240x128xf32, #tpu.memory_space<vmem_shared>> -> memref<128x128xf32, #tpu.memory_space<vmem_shared>>
      tpu.enqueue_dma source(%arg9 : memref<128x128xf32, #tpu.memory_space<vmem>>) target(%dma_start3A_86 : memref<128x128xf32, #tpu.memory_space<vmem_shared>>) target_semaphore(%run_scoped3A : memref<!tpu.dma_semaphore, #tpu.memory_space<semaphore_mem>>)
      %dma_wait3A = arith.constant 0 : i32
      %dma_wait3A_87 = tpu.memref_slice %arg10[%add3A_5, %dma_wait3A] : memref<10240x128xf32, #tpu.memory_space<vmem_shared>> -> memref<128x128xf32, #tpu.memory_space<vmem_shared>>
      %dma_wait3A_88 = arith.constant 0 : i32
      %dma_wait3A_89 = tpu.memref_slice %arg10[%add3A_5, %dma_wait3A_88] : memref<10240x128xf32, #tpu.memory_space<vmem_shared>> -> memref<128x128xf32, #tpu.memory_space<vmem_shared>>
      tpu.wait_dma2 semaphore(%run_scoped3A : memref<!tpu.dma_semaphore, #tpu.memory_space<semaphore_mem>>) src(%arg9 : memref<128x128xf32, #tpu.memory_space<vmem>>) dst(%dma_wait3A_89 : memref<128x128xf32, #tpu.memory_space<vmem_shared>>)
      tpu.yield
    }) : () -> ()
    %mul3A_6 = arith.constant 640 : i32
    %mul3A_7 = arith.muli %arg1, %mul3A_6 : i32
    %add3A_8 = arith.constant 256 : i32
    %add3A_9 = arith.addi %mul3A_7, %add3A_8 : i32
    "tpu.region"() ({
      %run_scoped3A = tpu.sem_alloc : memref<!tpu.dma_semaphore, #tpu.memory_space<semaphore_mem>>
      %dma_start3A = arith.constant 0 : i32
      %dma_start3A_84 = tpu.memref_slice %arg10[%add3A_9, %dma_start3A] : memref<10240x128xf32, #tpu.memory_space<vmem_shared>> -> memref<128x128xf32, #tpu.memory_space<vmem_shared>>
      %dma_start3A_85 = arith.constant 0 : i32
      %dma_start3A_86 = tpu.memref_slice %arg10[%add3A_9, %dma_start3A_85] : memref<10240x128xf32, #tpu.memory_space<vmem_shared>> -> memref<128x128xf32, #tpu.memory_space<vmem_shared>>
      tpu.enqueue_dma source(%arg9 : memref<128x128xf32, #tpu.memory_space<vmem>>) target(%dma_start3A_86 : memref<128x128xf32, #tpu.memory_space<vmem_shared>>) target_semaphore(%run_scoped3A : memref<!tpu.dma_semaphore, #tpu.memory_space<semaphore_mem>>)
      %dma_wait3A = arith.constant 0 : i32
      %dma_wait3A_87 = tpu.memref_slice %arg10[%add3A_9, %dma_wait3A] : memref<10240x128xf32, #tpu.memory_space<vmem_shared>> -> memref<128x128xf32, #tpu.memory_space<vmem_shared>>
      %dma_wait3A_88 = arith.constant 0 : i32
      %dma_wait3A_89 = tpu.memref_slice %arg10[%add3A_9, %dma_wait3A_88] : memref<10240x128xf32, #tpu.memory_space<vmem_shared>> -> memref<128x128xf32, #tpu.memory_space<vmem_shared>>
      tpu.wait_dma2 semaphore(%run_scoped3A : memref<!tpu.dma_semaphore, #tpu.memory_space<semaphore_mem>>) src(%arg9 : memref<128x128xf32, #tpu.memory_space<vmem>>) dst(%dma_wait3A_89 : memref<128x128xf32, #tpu.memory_space<vmem_shared>>)
      tpu.yield
    }) : () -> ()
    %mul3A_10 = arith.constant 640 : i32
    %mul3A_11 = arith.muli %arg1, %mul3A_10 : i32
    %add3A_12 = arith.constant 384 : i32
    %add3A_13 = arith.addi %mul3A_11, %add3A_12 : i32
    "tpu.region"() ({
      %run_scoped3A = tpu.sem_alloc : memref<!tpu.dma_semaphore, #tpu.memory_space<semaphore_mem>>
      %dma_start3A = arith.constant 0 : i32
      %dma_start3A_84 = tpu.memref_slice %arg10[%add3A_13, %dma_start3A] : memref<10240x128xf32, #tpu.memory_space<vmem_shared>> -> memref<128x128xf32, #tpu.memory_space<vmem_shared>>
      %dma_start3A_85 = arith.constant 0 : i32
      %dma_start3A_86 = tpu.memref_slice %arg10[%add3A_13, %dma_start3A_85] : memref<10240x128xf32, #tpu.memory_space<vmem_shared>> -> memref<128x128xf32, #tpu.memory_space<vmem_shared>>
      tpu.enqueue_dma source(%arg9 : memref<128x128xf32, #tpu.memory_space<vmem>>) target(%dma_start3A_86 : memref<128x128xf32, #tpu.memory_space<vmem_shared>>) target_semaphore(%run_scoped3A : memref<!tpu.dma_semaphore, #tpu.memory_space<semaphore_mem>>)
      %dma_wait3A = arith.constant 0 : i32
      %dma_wait3A_87 = tpu.memref_slice %arg10[%add3A_13, %dma_wait3A] : memref<10240x128xf32, #tpu.memory_space<vmem_shared>> -> memref<128x128xf32, #tpu.memory_space<vmem_shared>>
      %dma_wait3A_88 = arith.constant 0 : i32
      %dma_wait3A_89 = tpu.memref_slice %arg10[%add3A_13, %dma_wait3A_88] : memref<10240x128xf32, #tpu.memory_space<vmem_shared>> -> memref<128x128xf32, #tpu.memory_space<vmem_shared>>
      tpu.wait_dma2 semaphore(%run_scoped3A : memref<!tpu.dma_semaphore, #tpu.memory_space<semaphore_mem>>) src(%arg9 : memref<128x128xf32, #tpu.memory_space<vmem>>) dst(%dma_wait3A_89 : memref<128x128xf32, #tpu.memory_space<vmem_shared>>)
      tpu.yield
    }) : () -> ()
    %mul3A_14 = arith.constant 640 : i32
    %mul3A_15 = arith.muli %arg1, %mul3A_14 : i32
    %add3A_16 = arith.constant 512 : i32
    %add3A_17 = arith.addi %mul3A_15, %add3A_16 : i32
    "tpu.region"() ({
      %run_scoped3A = tpu.sem_alloc : memref<!tpu.dma_semaphore, #tpu.memory_space<semaphore_mem>>
      %dma_start3A = arith.constant 0 : i32
      %dma_start3A_84 = tpu.memref_slice %arg10[%add3A_17, %dma_start3A] : memref<10240x128xf32, #tpu.memory_space<vmem_shared>> -> memref<128x128xf32, #tpu.memory_space<vmem_shared>>
      %dma_start3A_85 = arith.constant 0 : i32
      %dma_start3A_86 = tpu.memref_slice %arg10[%add3A_17, %dma_start3A_85] : memref<10240x128xf32, #tpu.memory_space<vmem_shared>> -> memref<128x128xf32, #tpu.memory_space<vmem_shared>>
      tpu.enqueue_dma source(%arg9 : memref<128x128xf32, #tpu.memory_space<vmem>>) target(%dma_start3A_86 : memref<128x128xf32, #tpu.memory_space<vmem_shared>>) target_semaphore(%run_scoped3A : memref<!tpu.dma_semaphore, #tpu.memory_space<semaphore_mem>>)
      %dma_wait3A = arith.constant 0 : i32
      %dma_wait3A_87 = tpu.memref_slice %arg10[%add3A_17, %dma_wait3A] : memref<10240x128xf32, #tpu.memory_space<vmem_shared>> -> memref<128x128xf32, #tpu.memory_space<vmem_shared>>
      %dma_wait3A_88 = arith.constant 0 : i32
      %dma_wait3A_89 = tpu.memref_slice %arg10[%add3A_17, %dma_wait3A_88] : memref<10240x128xf32, #tpu.memory_space<vmem_shared>> -> memref<128x128xf32, #tpu.memory_space<vmem_shared>>
      tpu.wait_dma2 semaphore(%run_scoped3A : memref<!tpu.dma_semaphore, #tpu.memory_space<semaphore_mem>>) src(%arg9 : memref<128x128xf32, #tpu.memory_space<vmem>>) dst(%dma_wait3A_89 : memref<128x128xf32, #tpu.memory_space<vmem_shared>>)
      tpu.yield
    }) : () -> ()
    %barrier3A = arith.constant 0 : index
    tpu.barrier barrier_id(%barrier3A)
    %mul3A_18 = arith.constant 16 : i32
    %mul3A_19 = arith.muli %arg0, %mul3A_18 : i32
    %add3A_20 = arith.addi %mul3A_19, %arg1 : i32
    %mul3A_21 = arith.constant 10112 : i32
    %mul3A_22 = arith.muli %add3A_20, %mul3A_21 : i32
    %scan3A = arith.constant 0 : i32
    %scan3A_23 = arith.constant 0 : i32
    %scan3A_24 = arith.constant 79 : i32
    %scan3A_25 = arith.addi %scan3A_23, %scan3A_24 : i32
    %scan3A_26 = arith.constant 1 : i32
    scf.for %scan3A_84 = %scan3A_23 to %scan3A_25 step %scan3A_26  : i32 {
      %mul3A_85 = arith.constant 128 : i32
      %mul3A_86 = arith.muli %scan3A_84, %mul3A_85 : i32
      %add3A_87 = arith.addi %mul3A_22, %mul3A_86 : i32
      "tpu.region"() ({
        %run_scoped3A = tpu.sem_alloc : memref<!tpu.dma_semaphore, #tpu.memory_space<semaphore_mem>>
        %dma_start3A_92 = tpu.memref_slice %arg3[%add3A_87] : memref<323584xi32, #tpu.memory_space<hbm>> -> memref<128xi32, #tpu.memory_space<hbm>>
        %dma_start3A_93 = tpu.memref_slice %arg3[%add3A_87] : memref<323584xi32, #tpu.memory_space<hbm>> -> memref<128xi32, #tpu.memory_space<hbm>>
        tpu.enqueue_dma source(%dma_start3A_93 : memref<128xi32, #tpu.memory_space<hbm>>) target(%arg7 : memref<128xi32, #tpu.memory_space<vmem>>) target_semaphore(%run_scoped3A : memref<!tpu.dma_semaphore, #tpu.memory_space<semaphore_mem>>)
        %dma_wait3A_94 = tpu.memref_slice %arg3[%add3A_87] : memref<323584xi32, #tpu.memory_space<hbm>> -> memref<128xi32, #tpu.memory_space<hbm>>
        %dma_wait3A_95 = tpu.memref_slice %arg3[%add3A_87] : memref<323584xi32, #tpu.memory_space<hbm>> -> memref<128xi32, #tpu.memory_space<hbm>>
        tpu.wait_dma2 semaphore(%run_scoped3A : memref<!tpu.dma_semaphore, #tpu.memory_space<semaphore_mem>>) src(%dma_wait3A_95 : memref<128xi32, #tpu.memory_space<hbm>>) dst(%arg7 : memref<128xi32, #tpu.memory_space<vmem>>)
        tpu.yield
      }) : () -> ()
      "tpu.region"() ({
        %run_scoped3A = tpu.sem_alloc : memref<!tpu.dma_semaphore, #tpu.memory_space<semaphore_mem>>
        %dma_start3A_92 = tpu.memref_slice %arg4[%add3A_87] : memref<323584xi32, #tpu.memory_space<hbm>> -> memref<128xi32, #tpu.memory_space<hbm>>
        %dma_start3A_93 = tpu.memref_slice %arg4[%add3A_87] : memref<323584xi32, #tpu.memory_space<hbm>> -> memref<128xi32, #tpu.memory_space<hbm>>
        tpu.enqueue_dma source(%dma_start3A_93 : memref<128xi32, #tpu.memory_space<hbm>>) target(%arg8 : memref<128xi32, #tpu.memory_space<vmem>>) target_semaphore(%run_scoped3A : memref<!tpu.dma_semaphore, #tpu.memory_space<semaphore_mem>>)
        %dma_wait3A_94 = tpu.memref_slice %arg4[%add3A_87] : memref<323584xi32, #tpu.memory_space<hbm>> -> memref<128xi32, #tpu.memory_space<hbm>>
        %dma_wait3A_95 = tpu.memref_slice %arg4[%add3A_87] : memref<323584xi32, #tpu.memory_space<hbm>> -> memref<128xi32, #tpu.memory_space<hbm>>
        tpu.wait_dma2 semaphore(%run_scoped3A : memref<!tpu.dma_semaphore, #tpu.memory_space<semaphore_mem>>) src(%dma_wait3A_95 : memref<128xi32, #tpu.memory_space<hbm>>) dst(%arg8 : memref<128xi32, #tpu.memory_space<vmem>>)
        tpu.yield
      }) : () -> ()
      %dma_start3A = arith.constant 0 : i32
      %dma_start3A_88 = arith.constant 0 : i32
      %dma_start3A_89 = tpu.memref_slice %arg2[%dma_start3A, %dma_start3A_88] : memref<10000x128xf32, #tpu.memory_space<hbm>> -> memref<10000x128xf32, #tpu.memory_space<hbm>>
      tpu.enqueue_indirect_dma source(%dma_start3A_89 : memref<10000x128xf32, #tpu.memory_space<hbm>>) target(%arg9 : memref<128x128xf32, #tpu.memory_space<vmem>>) offsets(%arg7 : memref<128xi32, #tpu.memory_space<vmem>>) semaphore(%arg11 : memref<!tpu.dma_semaphore, #tpu.memory_space<semaphore_mem>>)
      %dma_wait3A = arith.constant 0 : i32
      %dma_wait3A_90 = arith.constant 0 : i32
      %dma_wait3A_91 = tpu.memref_slice %arg2[%dma_wait3A, %dma_wait3A_90] : memref<10000x128xf32, #tpu.memory_space<hbm>> -> memref<10000x128xf32, #tpu.memory_space<hbm>>
      tpu.wait_indirect_dma semaphore(%arg11 : memref<!tpu.dma_semaphore, #tpu.memory_space<semaphore_mem>>) src(%dma_wait3A_91 : memref<10000x128xf32, #tpu.memory_space<hbm>>) dst(%arg9 : memref<128x128xf32, #tpu.memory_space<vmem>>)
      "tpu.region"() ({
        %run_scoped3A = tpu.sem_alloc : memref<!tpu.dma_semaphore, #tpu.memory_space<semaphore_mem>>
        %dma_start3A_92 = arith.constant 0 : i32
        %dma_start3A_93 = arith.constant 0 : i32
        %dma_start3A_94 = tpu.memref_slice %arg10[%dma_start3A_92, %dma_start3A_93] : memref<10240x128xf32, #tpu.memory_space<vmem_shared>> -> memref<10240x128xf32, #tpu.memory_space<vmem_shared>>
        tpu.enqueue_indirect_dma source(%arg9 : memref<128x128xf32, #tpu.memory_space<vmem>>) target(%dma_start3A_94 : memref<10240x128xf32, #tpu.memory_space<vmem_shared>>) offsets(%arg8 : memref<128xi32, #tpu.memory_space<vmem>>) semaphore(%run_scoped3A : memref<!tpu.dma_semaphore, #tpu.memory_space<semaphore_mem>>) {add = true}
        %dma_wait3A_95 = arith.constant 0 : i32
        %dma_wait3A_96 = arith.constant 0 : i32
        %dma_wait3A_97 = tpu.memref_slice %arg10[%dma_wait3A_95, %dma_wait3A_96] : memref<10240x128xf32, #tpu.memory_space<vmem_shared>> -> memref<10240x128xf32, #tpu.memory_space<vmem_shared>>
        tpu.wait_indirect_dma semaphore(%run_scoped3A : memref<!tpu.dma_semaphore, #tpu.memory_space<semaphore_mem>>) src(%arg9 : memref<128x128xf32, #tpu.memory_space<vmem>>) dst(%dma_wait3A_97 : memref<10240x128xf32, #tpu.memory_space<vmem_shared>>)
        tpu.yield
      }) : () -> ()
    }
    %scan3A_27 = arith.constant 79 : i32
    %barrier3A_28 = arith.constant 0 : index
    tpu.barrier barrier_id(%barrier3A_28)
    %mul3A_29 = arith.constant 640 : i32
    %mul3A_30 = arith.muli %arg1, %mul3A_29 : i32
    %add3A_31 = arith.constant 0 : i32
    %add3A_32 = arith.addi %mul3A_30, %add3A_31 : i32
    "tpu.region"() ({
      %run_scoped3A = tpu.sem_alloc : memref<!tpu.dma_semaphore, #tpu.memory_space<semaphore_mem>>
      %dma_start3A = arith.constant 0 : i32
      %dma_start3A_84 = tpu.memref_slice %arg10[%add3A_32, %dma_start3A] : memref<10240x128xf32, #tpu.memory_space<vmem_shared>> -> memref<128x128xf32, #tpu.memory_space<vmem_shared>>
      %dma_start3A_85 = arith.constant 0 : i32
      %dma_start3A_86 = tpu.memref_slice %arg10[%add3A_32, %dma_start3A_85] : memref<10240x128xf32, #tpu.memory_space<vmem_shared>> -> memref<128x128xf32, #tpu.memory_space<vmem_shared>>
      tpu.enqueue_dma source(%dma_start3A_86 : memref<128x128xf32, #tpu.memory_space<vmem_shared>>) target(%arg9 : memref<128x128xf32, #tpu.memory_space<vmem>>) target_semaphore(%run_scoped3A : memref<!tpu.dma_semaphore, #tpu.memory_space<semaphore_mem>>)
      %dma_wait3A = arith.constant 0 : i32
      %dma_wait3A_87 = tpu.memref_slice %arg10[%add3A_32, %dma_wait3A] : memref<10240x128xf32, #tpu.memory_space<vmem_shared>> -> memref<128x128xf32, #tpu.memory_space<vmem_shared>>
      %dma_wait3A_88 = arith.constant 0 : i32
      %dma_wait3A_89 = tpu.memref_slice %arg10[%add3A_32, %dma_wait3A_88] : memref<10240x128xf32, #tpu.memory_space<vmem_shared>> -> memref<128x128xf32, #tpu.memory_space<vmem_shared>>
      tpu.wait_dma2 semaphore(%run_scoped3A : memref<!tpu.dma_semaphore, #tpu.memory_space<semaphore_mem>>) src(%dma_wait3A_89 : memref<128x128xf32, #tpu.memory_space<vmem_shared>>) dst(%arg9 : memref<128x128xf32, #tpu.memory_space<vmem>>)
      tpu.yield
    }) : () -> ()
    %mul3A_33 = arith.constant 10240 : i32
    %mul3A_34 = arith.muli %arg0, %mul3A_33 : i32
    %mul3A_35 = arith.constant 640 : i32
    %mul3A_36 = arith.muli %arg1, %mul3A_35 : i32
    %add3A_37 = arith.addi %mul3A_34, %mul3A_36 : i32
    %add3A_38 = arith.constant 0 : i32
    %add3A_39 = arith.addi %add3A_37, %add3A_38 : i32
    "tpu.region"() ({
      %run_scoped3A = tpu.sem_alloc : memref<!tpu.dma_semaphore, #tpu.memory_space<semaphore_mem>>
      %dma_start3A = arith.constant 0 : i32
      %dma_start3A_84 = tpu.memref_slice %arg6[%add3A_39, %dma_start3A] : memref<20480x128xf32, #tpu.memory_space<hbm>> -> memref<128x128xf32, #tpu.memory_space<hbm>>
      %dma_start3A_85 = arith.constant 0 : i32
      %dma_start3A_86 = tpu.memref_slice %arg6[%add3A_39, %dma_start3A_85] : memref<20480x128xf32, #tpu.memory_space<hbm>> -> memref<128x128xf32, #tpu.memory_space<hbm>>
      tpu.enqueue_dma source(%arg9 : memref<128x128xf32, #tpu.memory_space<vmem>>) target(%dma_start3A_86 : memref<128x128xf32, #tpu.memory_space<hbm>>) target_semaphore(%run_scoped3A : memref<!tpu.dma_semaphore, #tpu.memory_space<semaphore_mem>>)
      %dma_wait3A = arith.constant 0 : i32
      %dma_wait3A_87 = tpu.memref_slice %arg6[%add3A_39, %dma_wait3A] : memref<20480x128xf32, #tpu.memory_space<hbm>> -> memref<128x128xf32, #tpu.memory_space<hbm>>
      %dma_wait3A_88 = arith.constant 0 : i32
      %dma_wait3A_89 = tpu.memref_slice %arg6[%add3A_39, %dma_wait3A_88] : memref<20480x128xf32, #tpu.memory_space<hbm>> -> memref<128x128xf32, #tpu.memory_space<hbm>>
      tpu.wait_dma2 semaphore(%run_scoped3A : memref<!tpu.dma_semaphore, #tpu.memory_space<semaphore_mem>>) src(%arg9 : memref<128x128xf32, #tpu.memory_space<vmem>>) dst(%dma_wait3A_89 : memref<128x128xf32, #tpu.memory_space<hbm>>)
      tpu.yield
    }) : () -> ()
    %mul3A_40 = arith.constant 640 : i32
    %mul3A_41 = arith.muli %arg1, %mul3A_40 : i32
    %add3A_42 = arith.constant 128 : i32
    %add3A_43 = arith.addi %mul3A_41, %add3A_42 : i32
    "tpu.region"() ({
      %run_scoped3A = tpu.sem_alloc : memref<!tpu.dma_semaphore, #tpu.memory_space<semaphore_mem>>
      %dma_start3A = arith.constant 0 : i32
      %dma_start3A_84 = tpu.memref_slice %arg10[%add3A_43, %dma_start3A] : memref<10240x128xf32, #tpu.memory_space<vmem_shared>> -> memref<128x128xf32, #tpu.memory_space<vmem_shared>>
      %dma_start3A_85 = arith.constant 0 : i32
      %dma_start3A_86 = tpu.memref_slice %arg10[%add3A_43, %dma_start3A_85] : memref<10240x128xf32, #tpu.memory_space<vmem_shared>> -> memref<128x128xf32, #tpu.memory_space<vmem_shared>>
      tpu.enqueue_dma source(%dma_start3A_86 : memref<128x128xf32, #tpu.memory_space<vmem_shared>>) target(%arg9 : memref<128x128xf32, #tpu.memory_space<vmem>>) target_semaphore(%run_scoped3A : memref<!tpu.dma_semaphore, #tpu.memory_space<semaphore_mem>>)
      %dma_wait3A = arith.constant 0 : i32
      %dma_wait3A_87 = tpu.memref_slice %arg10[%add3A_43, %dma_wait3A] : memref<10240x128xf32, #tpu.memory_space<vmem_shared>> -> memref<128x128xf32, #tpu.memory_space<vmem_shared>>
      %dma_wait3A_88 = arith.constant 0 : i32
      %dma_wait3A_89 = tpu.memref_slice %arg10[%add3A_43, %dma_wait3A_88] : memref<10240x128xf32, #tpu.memory_space<vmem_shared>> -> memref<128x128xf32, #tpu.memory_space<vmem_shared>>
      tpu.wait_dma2 semaphore(%run_scoped3A : memref<!tpu.dma_semaphore, #tpu.memory_space<semaphore_mem>>) src(%dma_wait3A_89 : memref<128x128xf32, #tpu.memory_space<vmem_shared>>) dst(%arg9 : memref<128x128xf32, #tpu.memory_space<vmem>>)
      tpu.yield
    }) : () -> ()
    %mul3A_44 = arith.constant 10240 : i32
    %mul3A_45 = arith.muli %arg0, %mul3A_44 : i32
    %mul3A_46 = arith.constant 640 : i32
    %mul3A_47 = arith.muli %arg1, %mul3A_46 : i32
    %add3A_48 = arith.addi %mul3A_45, %mul3A_47 : i32
    %add3A_49 = arith.constant 128 : i32
    %add3A_50 = arith.addi %add3A_48, %add3A_49 : i32
    "tpu.region"() ({
      %run_scoped3A = tpu.sem_alloc : memref<!tpu.dma_semaphore, #tpu.memory_space<semaphore_mem>>
      %dma_start3A = arith.constant 0 : i32
      %dma_start3A_84 = tpu.memref_slice %arg6[%add3A_50, %dma_start3A] : memref<20480x128xf32, #tpu.memory_space<hbm>> -> memref<128x128xf32, #tpu.memory_space<hbm>>
      %dma_start3A_85 = arith.constant 0 : i32
      %dma_start3A_86 = tpu.memref_slice %arg6[%add3A_50, %dma_start3A_85] : memref<20480x128xf32, #tpu.memory_space<hbm>> -> memref<128x128xf32, #tpu.memory_space<hbm>>
      tpu.enqueue_dma source(%arg9 : memref<128x128xf32, #tpu.memory_space<vmem>>) target(%dma_start3A_86 : memref<128x128xf32, #tpu.memory_space<hbm>>) target_semaphore(%run_scoped3A : memref<!tpu.dma_semaphore, #tpu.memory_space<semaphore_mem>>)
      %dma_wait3A = arith.constant 0 : i32
      %dma_wait3A_87 = tpu.memref_slice %arg6[%add3A_50, %dma_wait3A] : memref<20480x128xf32, #tpu.memory_space<hbm>> -> memref<128x128xf32, #tpu.memory_space<hbm>>
      %dma_wait3A_88 = arith.constant 0 : i32
      %dma_wait3A_89 = tpu.memref_slice %arg6[%add3A_50, %dma_wait3A_88] : memref<20480x128xf32, #tpu.memory_space<hbm>> -> memref<128x128xf32, #tpu.memory_space<hbm>>
      tpu.wait_dma2 semaphore(%run_scoped3A : memref<!tpu.dma_semaphore, #tpu.memory_space<semaphore_mem>>) src(%arg9 : memref<128x128xf32, #tpu.memory_space<vmem>>) dst(%dma_wait3A_89 : memref<128x128xf32, #tpu.memory_space<hbm>>)
      tpu.yield
    }) : () -> ()
    %mul3A_51 = arith.constant 640 : i32
    %mul3A_52 = arith.muli %arg1, %mul3A_51 : i32
    %add3A_53 = arith.constant 256 : i32
    %add3A_54 = arith.addi %mul3A_52, %add3A_53 : i32
    "tpu.region"() ({
      %run_scoped3A = tpu.sem_alloc : memref<!tpu.dma_semaphore, #tpu.memory_space<semaphore_mem>>
      %dma_start3A = arith.constant 0 : i32
      %dma_start3A_84 = tpu.memref_slice %arg10[%add3A_54, %dma_start3A] : memref<10240x128xf32, #tpu.memory_space<vmem_shared>> -> memref<128x128xf32, #tpu.memory_space<vmem_shared>>
      %dma_start3A_85 = arith.constant 0 : i32
      %dma_start3A_86 = tpu.memref_slice %arg10[%add3A_54, %dma_start3A_85] : memref<10240x128xf32, #tpu.memory_space<vmem_shared>> -> memref<128x128xf32, #tpu.memory_space<vmem_shared>>
      tpu.enqueue_dma source(%dma_start3A_86 : memref<128x128xf32, #tpu.memory_space<vmem_shared>>) target(%arg9 : memref<128x128xf32, #tpu.memory_space<vmem>>) target_semaphore(%run_scoped3A : memref<!tpu.dma_semaphore, #tpu.memory_space<semaphore_mem>>)
      %dma_wait3A = arith.constant 0 : i32
      %dma_wait3A_87 = tpu.memref_slice %arg10[%add3A_54, %dma_wait3A] : memref<10240x128xf32, #tpu.memory_space<vmem_shared>> -> memref<128x128xf32, #tpu.memory_space<vmem_shared>>
      %dma_wait3A_88 = arith.constant 0 : i32
      %dma_wait3A_89 = tpu.memref_slice %arg10[%add3A_54, %dma_wait3A_88] : memref<10240x128xf32, #tpu.memory_space<vmem_shared>> -> memref<128x128xf32, #tpu.memory_space<vmem_shared>>
      tpu.wait_dma2 semaphore(%run_scoped3A : memref<!tpu.dma_semaphore, #tpu.memory_space<semaphore_mem>>) src(%dma_wait3A_89 : memref<128x128xf32, #tpu.memory_space<vmem_shared>>) dst(%arg9 : memref<128x128xf32, #tpu.memory_space<vmem>>)
      tpu.yield
    }) : () -> ()
    %mul3A_55 = arith.constant 10240 : i32
    %mul3A_56 = arith.muli %arg0, %mul3A_55 : i32
    %mul3A_57 = arith.constant 640 : i32
    %mul3A_58 = arith.muli %arg1, %mul3A_57 : i32
    %add3A_59 = arith.addi %mul3A_56, %mul3A_58 : i32
    %add3A_60 = arith.constant 256 : i32
    %add3A_61 = arith.addi %add3A_59, %add3A_60 : i32
    "tpu.region"() ({
      %run_scoped3A = tpu.sem_alloc : memref<!tpu.dma_semaphore, #tpu.memory_space<semaphore_mem>>
      %dma_start3A = arith.constant 0 : i32
      %dma_start3A_84 = tpu.memref_slice %arg6[%add3A_61, %dma_start3A] : memref<20480x128xf32, #tpu.memory_space<hbm>> -> memref<128x128xf32, #tpu.memory_space<hbm>>
      %dma_start3A_85 = arith.constant 0 : i32
      %dma_start3A_86 = tpu.memref_slice %arg6[%add3A_61, %dma_start3A_85] : memref<20480x128xf32, #tpu.memory_space<hbm>> -> memref<128x128xf32, #tpu.memory_space<hbm>>
      tpu.enqueue_dma source(%arg9 : memref<128x128xf32, #tpu.memory_space<vmem>>) target(%dma_start3A_86 : memref<128x128xf32, #tpu.memory_space<hbm>>) target_semaphore(%run_scoped3A : memref<!tpu.dma_semaphore, #tpu.memory_space<semaphore_mem>>)
      %dma_wait3A = arith.constant 0 : i32
      %dma_wait3A_87 = tpu.memref_slice %arg6[%add3A_61, %dma_wait3A] : memref<20480x128xf32, #tpu.memory_space<hbm>> -> memref<128x128xf32, #tpu.memory_space<hbm>>
      %dma_wait3A_88 = arith.constant 0 : i32
      %dma_wait3A_89 = tpu.memref_slice %arg6[%add3A_61, %dma_wait3A_88] : memref<20480x128xf32, #tpu.memory_space<hbm>> -> memref<128x128xf32, #tpu.memory_space<hbm>>
      tpu.wait_dma2 semaphore(%run_scoped3A : memref<!tpu.dma_semaphore, #tpu.memory_space<semaphore_mem>>) src(%arg9 : memref<128x128xf32, #tpu.memory_space<vmem>>) dst(%dma_wait3A_89 : memref<128x128xf32, #tpu.memory_space<hbm>>)
      tpu.yield
    }) : () -> ()
    %mul3A_62 = arith.constant 640 : i32
    %mul3A_63 = arith.muli %arg1, %mul3A_62 : i32
    %add3A_64 = arith.constant 384 : i32
    %add3A_65 = arith.addi %mul3A_63, %add3A_64 : i32
    "tpu.region"() ({
      %run_scoped3A = tpu.sem_alloc : memref<!tpu.dma_semaphore, #tpu.memory_space<semaphore_mem>>
      %dma_start3A = arith.constant 0 : i32
      %dma_start3A_84 = tpu.memref_slice %arg10[%add3A_65, %dma_start3A] : memref<10240x128xf32, #tpu.memory_space<vmem_shared>> -> memref<128x128xf32, #tpu.memory_space<vmem_shared>>
      %dma_start3A_85 = arith.constant 0 : i32
      %dma_start3A_86 = tpu.memref_slice %arg10[%add3A_65, %dma_start3A_85] : memref<10240x128xf32, #tpu.memory_space<vmem_shared>> -> memref<128x128xf32, #tpu.memory_space<vmem_shared>>
      tpu.enqueue_dma source(%dma_start3A_86 : memref<128x128xf32, #tpu.memory_space<vmem_shared>>) target(%arg9 : memref<128x128xf32, #tpu.memory_space<vmem>>) target_semaphore(%run_scoped3A : memref<!tpu.dma_semaphore, #tpu.memory_space<semaphore_mem>>)
      %dma_wait3A = arith.constant 0 : i32
      %dma_wait3A_87 = tpu.memref_slice %arg10[%add3A_65, %dma_wait3A] : memref<10240x128xf32, #tpu.memory_space<vmem_shared>> -> memref<128x128xf32, #tpu.memory_space<vmem_shared>>
      %dma_wait3A_88 = arith.constant 0 : i32
      %dma_wait3A_89 = tpu.memref_slice %arg10[%add3A_65, %dma_wait3A_88] : memref<10240x128xf32, #tpu.memory_space<vmem_shared>> -> memref<128x128xf32, #tpu.memory_space<vmem_shared>>
      tpu.wait_dma2 semaphore(%run_scoped3A : memref<!tpu.dma_semaphore, #tpu.memory_space<semaphore_mem>>) src(%dma_wait3A_89 : memref<128x128xf32, #tpu.memory_space<vmem_shared>>) dst(%arg9 : memref<128x128xf32, #tpu.memory_space<vmem>>)
      tpu.yield
    }) : () -> ()
    %mul3A_66 = arith.constant 10240 : i32
    %mul3A_67 = arith.muli %arg0, %mul3A_66 : i32
    %mul3A_68 = arith.constant 640 : i32
    %mul3A_69 = arith.muli %arg1, %mul3A_68 : i32
    %add3A_70 = arith.addi %mul3A_67, %mul3A_69 : i32
    %add3A_71 = arith.constant 384 : i32
    %add3A_72 = arith.addi %add3A_70, %add3A_71 : i32
    "tpu.region"() ({
      %run_scoped3A = tpu.sem_alloc : memref<!tpu.dma_semaphore, #tpu.memory_space<semaphore_mem>>
      %dma_start3A = arith.constant 0 : i32
      %dma_start3A_84 = tpu.memref_slice %arg6[%add3A_72, %dma_start3A] : memref<20480x128xf32, #tpu.memory_space<hbm>> -> memref<128x128xf32, #tpu.memory_space<hbm>>
      %dma_start3A_85 = arith.constant 0 : i32
      %dma_start3A_86 = tpu.memref_slice %arg6[%add3A_72, %dma_start3A_85] : memref<20480x128xf32, #tpu.memory_space<hbm>> -> memref<128x128xf32, #tpu.memory_space<hbm>>
      tpu.enqueue_dma source(%arg9 : memref<128x128xf32, #tpu.memory_space<vmem>>) target(%dma_start3A_86 : memref<128x128xf32, #tpu.memory_space<hbm>>) target_semaphore(%run_scoped3A : memref<!tpu.dma_semaphore, #tpu.memory_space<semaphore_mem>>)
      %dma_wait3A = arith.constant 0 : i32
      %dma_wait3A_87 = tpu.memref_slice %arg6[%add3A_72, %dma_wait3A] : memref<20480x128xf32, #tpu.memory_space<hbm>> -> memref<128x128xf32, #tpu.memory_space<hbm>>
      %dma_wait3A_88 = arith.constant 0 : i32
      %dma_wait3A_89 = tpu.memref_slice %arg6[%add3A_72, %dma_wait3A_88] : memref<20480x128xf32, #tpu.memory_space<hbm>> -> memref<128x128xf32, #tpu.memory_space<hbm>>
      tpu.wait_dma2 semaphore(%run_scoped3A : memref<!tpu.dma_semaphore, #tpu.memory_space<semaphore_mem>>) src(%arg9 : memref<128x128xf32, #tpu.memory_space<vmem>>) dst(%dma_wait3A_89 : memref<128x128xf32, #tpu.memory_space<hbm>>)
      tpu.yield
    }) : () -> ()
    %mul3A_73 = arith.constant 640 : i32
    %mul3A_74 = arith.muli %arg1, %mul3A_73 : i32
    %add3A_75 = arith.constant 512 : i32
    %add3A_76 = arith.addi %mul3A_74, %add3A_75 : i32
    "tpu.region"() ({
      %run_scoped3A = tpu.sem_alloc : memref<!tpu.dma_semaphore, #tpu.memory_space<semaphore_mem>>
      %dma_start3A = arith.constant 0 : i32
      %dma_start3A_84 = tpu.memref_slice %arg10[%add3A_76, %dma_start3A] : memref<10240x128xf32, #tpu.memory_space<vmem_shared>> -> memref<128x128xf32, #tpu.memory_space<vmem_shared>>
      %dma_start3A_85 = arith.constant 0 : i32
      %dma_start3A_86 = tpu.memref_slice %arg10[%add3A_76, %dma_start3A_85] : memref<10240x128xf32, #tpu.memory_space<vmem_shared>> -> memref<128x128xf32, #tpu.memory_space<vmem_shared>>
      tpu.enqueue_dma source(%dma_start3A_86 : memref<128x128xf32, #tpu.memory_space<vmem_shared>>) target(%arg9 : memref<128x128xf32, #tpu.memory_space<vmem>>) target_semaphore(%run_scoped3A : memref<!tpu.dma_semaphore, #tpu.memory_space<semaphore_mem>>)
      %dma_wait3A = arith.constant 0 : i32
      %dma_wait3A_87 = tpu.memref_slice %arg10[%add3A_76, %dma_wait3A] : memref<10240x128xf32, #tpu.memory_space<vmem_shared>> -> memref<128x128xf32, #tpu.memory_space<vmem_shared>>
      %dma_wait3A_88 = arith.constant 0 : i32
      %dma_wait3A_89 = tpu.memref_slice %arg10[%add3A_76, %dma_wait3A_88] : memref<10240x128xf32, #tpu.memory_space<vmem_shared>> -> memref<128x128xf32, #tpu.memory_space<vmem_shared>>
      tpu.wait_dma2 semaphore(%run_scoped3A : memref<!tpu.dma_semaphore, #tpu.memory_space<semaphore_mem>>) src(%dma_wait3A_89 : memref<128x128xf32, #tpu.memory_space<vmem_shared>>) dst(%arg9 : memref<128x128xf32, #tpu.memory_space<vmem>>)
      tpu.yield
    }) : () -> ()
    %mul3A_77 = arith.constant 10240 : i32
    %mul3A_78 = arith.muli %arg0, %mul3A_77 : i32
    %mul3A_79 = arith.constant 640 : i32
    %mul3A_80 = arith.muli %arg1, %mul3A_79 : i32
    %add3A_81 = arith.addi %mul3A_78, %mul3A_80 : i32
    %add3A_82 = arith.constant 512 : i32
    %add3A_83 = arith.addi %add3A_81, %add3A_82 : i32
    "tpu.region"() ({
      %run_scoped3A = tpu.sem_alloc : memref<!tpu.dma_semaphore, #tpu.memory_space<semaphore_mem>>
      %dma_start3A = arith.constant 0 : i32
      %dma_start3A_84 = tpu.memref_slice %arg6[%add3A_83, %dma_start3A] : memref<20480x128xf32, #tpu.memory_space<hbm>> -> memref<128x128xf32, #tpu.memory_space<hbm>>
      %dma_start3A_85 = arith.constant 0 : i32
      %dma_start3A_86 = tpu.memref_slice %arg6[%add3A_83, %dma_start3A_85] : memref<20480x128xf32, #tpu.memory_space<hbm>> -> memref<128x128xf32, #tpu.memory_space<hbm>>
      tpu.enqueue_dma source(%arg9 : memref<128x128xf32, #tpu.memory_space<vmem>>) target(%dma_start3A_86 : memref<128x128xf32, #tpu.memory_space<hbm>>) target_semaphore(%run_scoped3A : memref<!tpu.dma_semaphore, #tpu.memory_space<semaphore_mem>>)
      %dma_wait3A = arith.constant 0 : i32
      %dma_wait3A_87 = tpu.memref_slice %arg6[%add3A_83, %dma_wait3A] : memref<20480x128xf32, #tpu.memory_space<hbm>> -> memref<128x128xf32, #tpu.memory_space<hbm>>
      %dma_wait3A_88 = arith.constant 0 : i32
      %dma_wait3A_89 = tpu.memref_slice %arg6[%add3A_83, %dma_wait3A_88] : memref<20480x128xf32, #tpu.memory_space<hbm>> -> memref<128x128xf32, #tpu.memory_space<hbm>>
      tpu.wait_dma2 semaphore(%run_scoped3A : memref<!tpu.dma_semaphore, #tpu.memory_space<semaphore_mem>>) src(%arg9 : memref<128x128xf32, #tpu.memory_space<vmem>>) dst(%dma_wait3A_89 : memref<128x128xf32, #tpu.memory_space<hbm>>)
      tpu.yield
    }) : () -> ()
    return
  }
}

module attributes {stable_mosaic.version = 14 : i64} {
  func.func @tc_layer0(%arg0: memref<10000x128xf32, #tpu.memory_space<vmem>>, %arg1: memref<10000x128xf32, #tpu.memory_space<vmem>>, %arg2: memref<10000x128xf32, #tpu.memory_space<vmem>>, %arg3: memref<10000x16xf32, #tpu.memory_space<vmem>>, %arg4: memref<10000x16xf32, #tpu.memory_space<vmem>>, %arg5: memref<128x128xf32, #tpu.memory_space<vmem>>, %arg6: memref<1x128xf32, #tpu.memory_space<vmem>>, %arg7: memref<128x128xf32, #tpu.memory_space<vmem>>, %arg8: memref<1x128xf32, #tpu.memory_space<vmem>>, %arg9: memref<1x128xf32, #tpu.memory_space<vmem>>, %arg10: memref<10000x128xf32, #tpu.memory_space<vmem>>) attributes {dimension_semantics = [], scalar_prefetch = 0 : i64, scratch_operands = 0 : i64, tpu.core_type = #tpu.core_type<tc>} {
    %get3A = arith.constant 0 : index
    %get3A_0 = arith.constant 0 : index
    %get3A_1 = vector.load %arg3[%get3A, %get3A_0] : memref<10000x16xf32, #tpu.memory_space<vmem>>, vector<10000x1xf32>
    %get3A_2 = arith.constant 0 : index
    %get3A_3 = arith.constant 0 : index
    %get3A_4 = vector.load %arg4[%get3A_2, %get3A_3] : memref<10000x16xf32, #tpu.memory_space<vmem>>, vector<10000x1xf32>
    %add3A = arith.addf %get3A_1, %get3A_4 : vector<10000x1xf32>
    %max3A = arith.constant 1.000000e+00 : f32
    %max3A_5 = vector.broadcast %max3A : f32 to vector<10000x1xf32>
    %max3A_6 = arith.maximumf %add3A, %max3A_5 : vector<10000x1xf32>
    %get3A_7 = arith.constant 0 : index
    %get3A_8 = arith.constant 0 : index
    %get3A_9 = vector.load %arg1[%get3A_7, %get3A_8] : memref<10000x128xf32, #tpu.memory_space<vmem>>, vector<10000x128xf32>
    %get3A_10 = arith.constant 0 : index
    %get3A_11 = arith.constant 0 : index
    %get3A_12 = vector.load %arg2[%get3A_10, %get3A_11] : memref<10000x128xf32, #tpu.memory_space<vmem>>, vector<10000x128xf32>
    %add3A_13 = arith.addf %get3A_9, %get3A_12 : vector<10000x128xf32>
    %div3A = vector.broadcast %max3A_6 : vector<10000x1xf32> to vector<10000x128xf32>
    %div3A_14 = arith.divf %add3A_13, %div3A : vector<10000x128xf32>
    %get3A_15 = arith.constant 0 : index
    %get3A_16 = arith.constant 0 : index
    %get3A_17 = vector.load %arg5[%get3A_15, %get3A_16] : memref<128x128xf32, #tpu.memory_space<vmem>>, vector<128x128xf32>
    %dot_general3A = arith.constant dense<0.000000e+00> : vector<10000x128xf32>
    %dot_general3A_18 = tpu.matmul %div3A_14, %get3A_17, %dot_general3A {dimension_numbers = #tpu.dot_dimension_numbers<[1], [0], [0], [1], [0, 0, 1, 1], [], []>, transpose_lhs_hint = false} : vector<10000x128xf32>, vector<128x128xf32>, vector<10000x128xf32> -> vector<10000x128xf32>
    %get3A_19 = arith.constant 0 : index
    %get3A_20 = arith.constant 0 : index
    %get3A_21 = vector.load %arg6[%get3A_19, %get3A_20] : memref<1x128xf32, #tpu.memory_space<vmem>>, vector<1x128xf32>
    %add3A_22 = vector.broadcast %get3A_21 : vector<1x128xf32> to vector<10000x128xf32>
    %add3A_23 = arith.addf %dot_general3A_18, %add3A_22 : vector<10000x128xf32>
    %get3A_24 = arith.constant 0 : index
    %get3A_25 = arith.constant 0 : index
    %get3A_26 = vector.load %arg0[%get3A_24, %get3A_25] : memref<10000x128xf32, #tpu.memory_space<vmem>>, vector<10000x128xf32>
    %get3A_27 = arith.constant 0 : index
    %get3A_28 = arith.constant 0 : index
    %get3A_29 = vector.load %arg7[%get3A_27, %get3A_28] : memref<128x128xf32, #tpu.memory_space<vmem>>, vector<128x128xf32>
    %dot_general3A_30 = arith.constant dense<0.000000e+00> : vector<10000x128xf32>
    %dot_general3A_31 = tpu.matmul %get3A_26, %get3A_29, %dot_general3A_30 {dimension_numbers = #tpu.dot_dimension_numbers<[1], [0], [0], [1], [0, 0, 1, 1], [], []>, transpose_lhs_hint = false} : vector<10000x128xf32>, vector<128x128xf32>, vector<10000x128xf32> -> vector<10000x128xf32>
    %add3A_32 = arith.addf %add3A_23, %dot_general3A_31 : vector<10000x128xf32>
    %max3A_33 = arith.constant 0.000000e+00 : f32
    %max3A_34 = vector.broadcast %max3A_33 : f32 to vector<10000x128xf32>
    %max3A_35 = arith.maximumf %add3A_32, %max3A_34 : vector<10000x128xf32>
    %reduce_sum3A = arith.constant dense<0.000000e+00> : vector<128xf32>
    %reduce_sum3A_36 = vector.multi_reduction <add>, %max3A_35, %reduce_sum3A [0] : vector<10000x128xf32> to vector<128xf32>
    %broadcast_in_dim3A = vector.shape_cast %reduce_sum3A_36 : vector<128xf32> to vector<1x128xf32>
    %div3A_37 = arith.constant 1.000000e+04 : f32
    %div3A_38 = vector.broadcast %div3A_37 : f32 to vector<1x128xf32>
    %div3A_39 = arith.divf %broadcast_in_dim3A, %div3A_38 : vector<1x128xf32>
    %sub3A = vector.broadcast %div3A_39 : vector<1x128xf32> to vector<10000x128xf32>
    %sub3A_40 = arith.subf %max3A_35, %sub3A : vector<10000x128xf32>
    %sub3A_41 = vector.broadcast %div3A_39 : vector<1x128xf32> to vector<10000x128xf32>
    %sub3A_42 = arith.subf %max3A_35, %sub3A_41 : vector<10000x128xf32>
    %mul3A = arith.mulf %sub3A_40, %sub3A_42 : vector<10000x128xf32>
    %reduce_sum3A_43 = arith.constant dense<0.000000e+00> : vector<128xf32>
    %reduce_sum3A_44 = vector.multi_reduction <add>, %mul3A, %reduce_sum3A_43 [0] : vector<10000x128xf32> to vector<128xf32>
    %broadcast_in_dim3A_45 = vector.shape_cast %reduce_sum3A_44 : vector<128xf32> to vector<1x128xf32>
    %div3A_46 = arith.constant 1.000000e+04 : f32
    %div3A_47 = vector.broadcast %div3A_46 : f32 to vector<1x128xf32>
    %div3A_48 = arith.divf %broadcast_in_dim3A_45, %div3A_47 : vector<1x128xf32>
    %sub3A_49 = vector.broadcast %div3A_39 : vector<1x128xf32> to vector<10000x128xf32>
    %sub3A_50 = arith.subf %max3A_35, %sub3A_49 : vector<10000x128xf32>
    %add3A_51 = arith.constant 9.99999974E-6 : f32
    %add3A_52 = vector.broadcast %add3A_51 : f32 to vector<1x128xf32>
    %add3A_53 = arith.addf %div3A_48, %add3A_52 : vector<1x128xf32>
    %rsqrt3A = math.rsqrt %add3A_53 : vector<1x128xf32>
    %mul3A_54 = vector.broadcast %rsqrt3A : vector<1x128xf32> to vector<10000x128xf32>
    %mul3A_55 = arith.mulf %sub3A_50, %mul3A_54 : vector<10000x128xf32>
    %get3A_56 = arith.constant 0 : index
    %get3A_57 = arith.constant 0 : index
    %get3A_58 = vector.load %arg8[%get3A_56, %get3A_57] : memref<1x128xf32, #tpu.memory_space<vmem>>, vector<1x128xf32>
    %mul3A_59 = vector.broadcast %get3A_58 : vector<1x128xf32> to vector<10000x128xf32>
    %mul3A_60 = arith.mulf %mul3A_55, %mul3A_59 : vector<10000x128xf32>
    %get3A_61 = arith.constant 0 : index
    %get3A_62 = arith.constant 0 : index
    %get3A_63 = vector.load %arg9[%get3A_61, %get3A_62] : memref<1x128xf32, #tpu.memory_space<vmem>>, vector<1x128xf32>
    %add3A_64 = vector.broadcast %get3A_63 : vector<1x128xf32> to vector<10000x128xf32>
    %add3A_65 = arith.addf %mul3A_60, %add3A_64 : vector<10000x128xf32>
    %swap3A = arith.constant 0 : index
    %swap3A_66 = arith.constant 0 : index
    %swap3A_67 = vector.load %arg10[%swap3A, %swap3A_66] : memref<10000x128xf32, #tpu.memory_space<vmem>>, vector<10000x128xf32>
    tpu.vector_store %arg10[%swap3A, %swap3A_66], %add3A_65 {strides = array<i32>} : memref<10000x128xf32, #tpu.memory_space<vmem>>, vector<10000x128xf32>,
    return
  }
}

module attributes {stable_mosaic.version = 14 : i64} {
  func.func @tc_layer1_pool_loss(%arg0: memref<10000x128xf32, #tpu.memory_space<vmem>>, %arg1: memref<10000x128xf32, #tpu.memory_space<vmem>>, %arg2: memref<10000x128xf32, #tpu.memory_space<vmem>>, %arg3: memref<10000x16xf32, #tpu.memory_space<vmem>>, %arg4: memref<10000x16xf32, #tpu.memory_space<vmem>>, %arg5: memref<128x128xf32, #tpu.memory_space<vmem>>, %arg6: memref<1x128xf32, #tpu.memory_space<vmem>>, %arg7: memref<128x128xf32, #tpu.memory_space<vmem>>, %arg8: memref<1x10000xi32, #tpu.memory_space<vmem>>, %arg9: memref<10000x1xi32, #tpu.memory_space<vmem>>, %arg10: memref<64x1xi32, #tpu.memory_space<vmem>>, %arg11: memref<128x128xf32, #tpu.memory_space<vmem>>, %arg12: memref<128x128xf32, #tpu.memory_space<vmem>>, %arg13: memref<1x128xf32, #tpu.memory_space<vmem>>, %arg14: memref<1x128xf32, #tpu.memory_space<vmem>>, %arg15: memref<1x128xf32, #tpu.memory_space<vmem>>, %arg16: memref<1x1xf32, #tpu.memory_space<vmem>>) attributes {dimension_semantics = [], scalar_prefetch = 0 : i64, scratch_operands = 0 : i64, tpu.core_type = #tpu.core_type<tc>} {
    %get3A = arith.constant 0 : index
    %get3A_0 = arith.constant 0 : index
    %get3A_1 = vector.load %arg3[%get3A, %get3A_0] : memref<10000x16xf32, #tpu.memory_space<vmem>>, vector<10000x1xf32>
    %get3A_2 = arith.constant 0 : index
    %get3A_3 = arith.constant 0 : index
    %get3A_4 = vector.load %arg4[%get3A_2, %get3A_3] : memref<10000x16xf32, #tpu.memory_space<vmem>>, vector<10000x1xf32>
    %add3A = arith.addf %get3A_1, %get3A_4 : vector<10000x1xf32>
    %max3A = arith.constant 1.000000e+00 : f32
    %max3A_5 = vector.broadcast %max3A : f32 to vector<10000x1xf32>
    %max3A_6 = arith.maximumf %add3A, %max3A_5 : vector<10000x1xf32>
    %get3A_7 = arith.constant 0 : index
    %get3A_8 = arith.constant 0 : index
    %get3A_9 = vector.load %arg1[%get3A_7, %get3A_8] : memref<10000x128xf32, #tpu.memory_space<vmem>>, vector<10000x128xf32>
    %get3A_10 = arith.constant 0 : index
    %get3A_11 = arith.constant 0 : index
    %get3A_12 = vector.load %arg2[%get3A_10, %get3A_11] : memref<10000x128xf32, #tpu.memory_space<vmem>>, vector<10000x128xf32>
    %add3A_13 = arith.addf %get3A_9, %get3A_12 : vector<10000x128xf32>
    %div3A = vector.broadcast %max3A_6 : vector<10000x1xf32> to vector<10000x128xf32>
    %div3A_14 = arith.divf %add3A_13, %div3A : vector<10000x128xf32>
    %get3A_15 = arith.constant 0 : index
    %get3A_16 = arith.constant 0 : index
    %get3A_17 = vector.load %arg5[%get3A_15, %get3A_16] : memref<128x128xf32, #tpu.memory_space<vmem>>, vector<128x128xf32>
    %dot_general3A = arith.constant dense<0.000000e+00> : vector<10000x128xf32>
    %dot_general3A_18 = tpu.matmul %div3A_14, %get3A_17, %dot_general3A {dimension_numbers = #tpu.dot_dimension_numbers<[1], [0], [0], [1], [0, 0, 1, 1], [], []>, transpose_lhs_hint = false} : vector<10000x128xf32>, vector<128x128xf32>, vector<10000x128xf32> -> vector<10000x128xf32>
    %get3A_19 = arith.constant 0 : index
    %get3A_20 = arith.constant 0 : index
    %get3A_21 = vector.load %arg6[%get3A_19, %get3A_20] : memref<1x128xf32, #tpu.memory_space<vmem>>, vector<1x128xf32>
    %add3A_22 = vector.broadcast %get3A_21 : vector<1x128xf32> to vector<10000x128xf32>
    %add3A_23 = arith.addf %dot_general3A_18, %add3A_22 : vector<10000x128xf32>
    %get3A_24 = arith.constant 0 : index
    %get3A_25 = arith.constant 0 : index
    %get3A_26 = vector.load %arg0[%get3A_24, %get3A_25] : memref<10000x128xf32, #tpu.memory_space<vmem>>, vector<10000x128xf32>
    %get3A_27 = arith.constant 0 : index
    %get3A_28 = arith.constant 0 : index
    %get3A_29 = vector.load %arg7[%get3A_27, %get3A_28] : memref<128x128xf32, #tpu.memory_space<vmem>>, vector<128x128xf32>
    %dot_general3A_30 = arith.constant dense<0.000000e+00> : vector<10000x128xf32>
    %dot_general3A_31 = tpu.matmul %get3A_26, %get3A_29, %dot_general3A_30 {dimension_numbers = #tpu.dot_dimension_numbers<[1], [0], [0], [1], [0, 0, 1, 1], [], []>, transpose_lhs_hint = false} : vector<10000x128xf32>, vector<128x128xf32>, vector<10000x128xf32> -> vector<10000x128xf32>
    %add3A_32 = arith.addf %add3A_23, %dot_general3A_31 : vector<10000x128xf32>
    %max3A_33 = arith.constant 0.000000e+00 : f32
    %max3A_34 = vector.broadcast %max3A_33 : f32 to vector<10000x128xf32>
    %max3A_35 = arith.maximumf %add3A_32, %max3A_34 : vector<10000x128xf32>
    %iota3A = tpu.iota {dimensions = array<i32: 0>} : vector<64x10000xi32>
    %get3A_36 = arith.constant 0 : index
    %get3A_37 = arith.constant 0 : index
    %get3A_38 = vector.load %arg8[%get3A_36, %get3A_37] : memref<1x10000xi32, #tpu.memory_space<vmem>>, vector<1x10000xi32>
    %eq3A = vector.broadcast %get3A_38 : vector<1x10000xi32> to vector<64x10000xi32>
    %eq3A_39 = arith.cmpi eq, %eq3A, %iota3A : vector<64x10000xi32>
    %convert_element_type3A = arith.extui %eq3A_39 : vector<64x10000xi1> to vector<64x10000xi32>
    %convert_element_type3A_40 = arith.sitofp %convert_element_type3A : vector<64x10000xi32> to vector<64x10000xf32>
    %dot_general3A_41 = arith.constant dense<0.000000e+00> : vector<64x128xf32>
    %dot_general3A_42 = tpu.matmul %convert_element_type3A_40, %max3A_35, %dot_general3A_41 {dimension_numbers = #tpu.dot_dimension_numbers<[1], [0], [0], [1], [0, 0, 1, 1], [], []>, transpose_lhs_hint = false} : vector<64x10000xf32>, vector<10000x128xf32>, vector<64x128xf32> -> vector<64x128xf32>
    %reduce_sum3A = arith.constant dense<0.000000e+00> : vector<64xf32>
    %reduce_sum3A_43 = vector.multi_reduction <add>, %convert_element_type3A_40, %reduce_sum3A [1] : vector<64x10000xf32> to vector<64xf32>
    %broadcast_in_dim3A = vector.shape_cast %reduce_sum3A_43 : vector<64xf32> to vector<64x1xf32>
    %max3A_44 = arith.constant 1.000000e+00 : f32
    %max3A_45 = vector.broadcast %max3A_44 : f32 to vector<64x1xf32>
    %max3A_46 = arith.maximumf %broadcast_in_dim3A, %max3A_45 : vector<64x1xf32>
    %div3A_47 = vector.broadcast %max3A_46 : vector<64x1xf32> to vector<64x128xf32>
    %div3A_48 = arith.divf %dot_general3A_42, %div3A_47 : vector<64x128xf32>
    %iota3A_49 = tpu.iota {dimensions = array<i32: 0>} : vector<64x1xi32>
    %get3A_50 = arith.constant 0 : index
    %get3A_51 = arith.constant 0 : index
    %get3A_52 = vector.load %arg9[%get3A_50, %get3A_51] : memref<10000x1xi32, #tpu.memory_space<vmem>>, vector<10000x1xi32>
    %broadcast_in_dim3A_53 = arith.constant -1.000000e+00 : f32
    %broadcast_in_dim3A_54 = vector.broadcast %broadcast_in_dim3A_53 : f32 to vector<64x128xf32>
    %scan3A = arith.constant 0 : i32
    %scan3A_55 = arith.constant 64 : i32
    %scan3A_56 = arith.addi %scan3A, %scan3A_55 : i32
    %scan3A_57 = arith.constant 1 : i32
    %scan3A_58 = scf.for %scan3A_159 = %scan3A to %scan3A_56 step %scan3A_57 iter_args(%scan3A_160 = %broadcast_in_dim3A_54) -> (vector<64x128xf32>)  : i32 {
      %eq3A_161 = vector.broadcast %scan3A_159 : i32 to vector<10000x1xi32>
      %eq3A_162 = arith.cmpi eq, %get3A_52, %eq3A_161 : vector<10000x1xi32>
      %jit3A = arith.constant -1.000000e+00 : f32
      %broadcast_in_dim3A_163 = vector.shape_cast %eq3A_162 : vector<10000x1xi1> to vector<10000x1xi1>
      %broadcast_in_dim3A_164 = vector.broadcast %broadcast_in_dim3A_163 : vector<10000x1xi1> to vector<10000x128xi1>
      %broadcast_in_dim3A_165 = vector.broadcast %jit3A : f32 to vector<10000x128xf32>
      %select_n3A_166 = arith.select %broadcast_in_dim3A_164, %max3A_35, %broadcast_in_dim3A_165 : vector<10000x128xi1>, vector<10000x128xf32>
      %reduce_max3A = arith.constant dense<0xFF800000> : vector<128xf32>
      %reduce_max3A_167 = vector.multi_reduction <maximumf>, %select_n3A_166, %reduce_max3A [0] : vector<10000x128xf32> to vector<128xf32>
      %broadcast_in_dim3A_168 = vector.shape_cast %reduce_max3A_167 : vector<128xf32> to vector<1x128xf32>
      %eq3A_169 = vector.broadcast %scan3A_159 : i32 to vector<64x1xi32>
      %eq3A_170 = arith.cmpi eq, %iota3A_49, %eq3A_169 : vector<64x1xi32>
      %broadcast_in_dim3A_171 = vector.shape_cast %eq3A_170 : vector<64x1xi1> to vector<64x1xi1>
      %broadcast_in_dim3A_172 = vector.broadcast %broadcast_in_dim3A_171 : vector<64x1xi1> to vector<64x128xi1>
      %broadcast_in_dim3A_173 = vector.shape_cast %broadcast_in_dim3A_168 : vector<1x128xf32> to vector<1x128xf32>
      %broadcast_in_dim3A_174 = vector.broadcast %broadcast_in_dim3A_173 : vector<1x128xf32> to vector<64x128xf32>
      %select_n3A_175 = arith.select %broadcast_in_dim3A_172, %broadcast_in_dim3A_174, %scan3A_160 : vector<64x128xi1>, vector<64x128xf32>
      scf.yield %select_n3A_175 : vector<64x128xf32>
    }
    %scan3A_59 = arith.constant 64 : i32
    %max3A_60 = arith.constant 0.000000e+00 : f32
    %max3A_61 = vector.broadcast %max3A_60 : f32 to vector<64x128xf32>
    %max3A_62 = arith.maximumf %scan3A_58, %max3A_61 : vector<64x128xf32>
    %get3A_63 = arith.constant 0 : index
    %get3A_64 = arith.constant 0 : index
    %get3A_65 = vector.load %arg11[%get3A_63, %get3A_64] : memref<128x128xf32, #tpu.memory_space<vmem>>, vector<128x128xf32>
    %dot_general3A_66 = arith.constant dense<0.000000e+00> : vector<64x128xf32>
    %dot_general3A_67 = tpu.matmul %div3A_48, %get3A_65, %dot_general3A_66 {dimension_numbers = #tpu.dot_dimension_numbers<[1], [0], [0], [1], [0, 0, 1, 1], [], []>, transpose_lhs_hint = false} : vector<64x128xf32>, vector<128x128xf32>, vector<64x128xf32> -> vector<64x128xf32>
    %get3A_68 = arith.constant 0 : index
    %get3A_69 = arith.constant 0 : index
    %get3A_70 = vector.load %arg12[%get3A_68, %get3A_69] : memref<128x128xf32, #tpu.memory_space<vmem>>, vector<128x128xf32>
    %dot_general3A_71 = arith.constant dense<0.000000e+00> : vector<64x128xf32>
    %dot_general3A_72 = tpu.matmul %max3A_62, %get3A_70, %dot_general3A_71 {dimension_numbers = #tpu.dot_dimension_numbers<[1], [0], [0], [1], [0, 0, 1, 1], [], []>, transpose_lhs_hint = false} : vector<64x128xf32>, vector<128x128xf32>, vector<64x128xf32> -> vector<64x128xf32>
    %add3A_73 = arith.addf %dot_general3A_67, %dot_general3A_72 : vector<64x128xf32>
    %get3A_74 = arith.constant 0 : index
    %get3A_75 = arith.constant 0 : index
    %get3A_76 = vector.load %arg13[%get3A_74, %get3A_75] : memref<1x128xf32, #tpu.memory_space<vmem>>, vector<1x128xf32>
    %add3A_77 = vector.broadcast %get3A_76 : vector<1x128xf32> to vector<64x128xf32>
    %add3A_78 = arith.addf %add3A_73, %add3A_77 : vector<64x128xf32>
    %mul3A = arith.mulf %add3A_78, %add3A_78 : vector<64x128xf32>
    %reduce_sum3A_79 = arith.constant dense<0.000000e+00> : vector<64xf32>
    %reduce_sum3A_80 = vector.multi_reduction <add>, %mul3A, %reduce_sum3A_79 [1] : vector<64x128xf32> to vector<64xf32>
    %broadcast_in_dim3A_81 = vector.shape_cast %reduce_sum3A_80 : vector<64xf32> to vector<64x1xf32>
    %sqrt3A = math.sqrt %broadcast_in_dim3A_81 : vector<64x1xf32>
    %max3A_82 = arith.constant 9.99999996E-13 : f32
    %max3A_83 = vector.broadcast %max3A_82 : f32 to vector<64x1xf32>
    %max3A_84 = arith.maximumf %sqrt3A, %max3A_83 : vector<64x1xf32>
    %div3A_85 = vector.broadcast %max3A_84 : vector<64x1xf32> to vector<64x128xf32>
    %div3A_86 = arith.divf %add3A_78, %div3A_85 : vector<64x128xf32>
    %get3A_87 = arith.constant 0 : index
    %get3A_88 = arith.constant 0 : index
    %get3A_89 = vector.load %arg14[%get3A_87, %get3A_88] : memref<1x128xf32, #tpu.memory_space<vmem>>, vector<1x128xf32>
    %get3A_90 = arith.constant 0 : index
    %get3A_91 = arith.constant 0 : index
    %get3A_92 = vector.load %arg15[%get3A_90, %get3A_91] : memref<1x128xf32, #tpu.memory_space<vmem>>, vector<1x128xf32>
    %mul3A_93 = arith.mulf %get3A_89, %get3A_89 : vector<1x128xf32>
    %reduce_sum3A_94 = vector.shape_cast %mul3A_93 : vector<1x128xf32> to vector<1x1x128xf32>
    %reduce_sum3A_95 = arith.constant dense<0.000000e+00> : vector<1xf32>
    %reduce_sum3A_96 = vector.multi_reduction <add>, %reduce_sum3A_94, %reduce_sum3A_95 [1, 2] : vector<1x1x128xf32> to vector<1xf32>
    %reduce_sum3A_97 = vector.shape_cast %reduce_sum3A_96 : vector<1xf32> to vector<1x1x1xf32>
    %reduce_sum3A_98 = vector.extract %reduce_sum3A_97[0, 0, 0] : f32 from vector<1x1x1xf32>
    %sqrt3A_99 = math.sqrt %reduce_sum3A_98 : f32
    %max3A_100 = arith.constant 9.99999996E-13 : f32
    %max3A_101 = arith.maximumf %sqrt3A_99, %max3A_100 : f32
    %div3A_102 = vector.broadcast %max3A_101 : f32 to vector<1x128xf32>
    %div3A_103 = arith.divf %get3A_89, %div3A_102 : vector<1x128xf32>
    %mul3A_104 = arith.mulf %get3A_92, %get3A_92 : vector<1x128xf32>
    %reduce_sum3A_105 = vector.shape_cast %mul3A_104 : vector<1x128xf32> to vector<1x1x128xf32>
    %reduce_sum3A_106 = arith.constant dense<0.000000e+00> : vector<1xf32>
    %reduce_sum3A_107 = vector.multi_reduction <add>, %reduce_sum3A_105, %reduce_sum3A_106 [1, 2] : vector<1x1x128xf32> to vector<1xf32>
    %reduce_sum3A_108 = vector.shape_cast %reduce_sum3A_107 : vector<1xf32> to vector<1x1x1xf32>
    %reduce_sum3A_109 = vector.extract %reduce_sum3A_108[0, 0, 0] : f32 from vector<1x1x1xf32>
    %sqrt3A_110 = math.sqrt %reduce_sum3A_109 : f32
    %max3A_111 = arith.constant 9.99999996E-13 : f32
    %max3A_112 = arith.maximumf %sqrt3A_110, %max3A_111 : f32
    %div3A_113 = vector.broadcast %max3A_112 : f32 to vector<1x128xf32>
    %div3A_114 = arith.divf %get3A_92, %div3A_113 : vector<1x128xf32>
    %mul3A_115 = vector.broadcast %div3A_103 : vector<1x128xf32> to vector<64x128xf32>
    %mul3A_116 = arith.mulf %div3A_86, %mul3A_115 : vector<64x128xf32>
    %reduce_sum3A_117 = arith.constant dense<0.000000e+00> : vector<64xf32>
    %reduce_sum3A_118 = vector.multi_reduction <add>, %mul3A_116, %reduce_sum3A_117 [1] : vector<64x128xf32> to vector<64xf32>
    %broadcast_in_dim3A_119 = vector.shape_cast %reduce_sum3A_118 : vector<64xf32> to vector<64x1xf32>
    %mul3A_120 = vector.broadcast %div3A_114 : vector<1x128xf32> to vector<64x128xf32>
    %mul3A_121 = arith.mulf %div3A_86, %mul3A_120 : vector<64x128xf32>
    %reduce_sum3A_122 = arith.constant dense<0.000000e+00> : vector<64xf32>
    %reduce_sum3A_123 = vector.multi_reduction <add>, %mul3A_121, %reduce_sum3A_122 [1] : vector<64x128xf32> to vector<64xf32>
    %broadcast_in_dim3A_124 = vector.shape_cast %reduce_sum3A_123 : vector<64xf32> to vector<64x1xf32>
    %get3A_125 = arith.constant 0 : index
    %get3A_126 = arith.constant 0 : index
    %get3A_127 = vector.load %arg10[%get3A_125, %get3A_126] : memref<64x1xi32, #tpu.memory_space<vmem>>, vector<64x1xi32>
    %eq3A_128 = arith.constant 1 : i32
    %eq3A_129 = vector.broadcast %eq3A_128 : i32 to vector<64x1xi32>
    %eq3A_130 = arith.cmpi eq, %get3A_127, %eq3A_129 : vector<64x1xi32>
    %mul3A_131 = arith.mulf %broadcast_in_dim3A_119, %broadcast_in_dim3A_119 : vector<64x1xf32>
    %sub3A = arith.constant 1.000000e+00 : f32
    %sub3A_132 = vector.broadcast %sub3A : f32 to vector<64x1xf32>
    %sub3A_133 = arith.subf %sub3A_132, %broadcast_in_dim3A_119 : vector<64x1xf32>
    %sub3A_134 = arith.constant 1.000000e+00 : f32
    %sub3A_135 = vector.broadcast %sub3A_134 : f32 to vector<64x1xf32>
    %sub3A_136 = arith.subf %sub3A_135, %broadcast_in_dim3A_119 : vector<64x1xf32>
    %mul3A_137 = arith.mulf %sub3A_133, %sub3A_136 : vector<64x1xf32>
    %select_n3A = arith.select %eq3A_130, %mul3A_131, %mul3A_137 : vector<64x1xi1>, vector<64x1xf32>
    %eq3A_138 = arith.constant 0 : i32
    %eq3A_139 = vector.broadcast %eq3A_138 : i32 to vector<64x1xi32>
    %eq3A_140 = arith.cmpi eq, %get3A_127, %eq3A_139 : vector<64x1xi32>
    %mul3A_141 = arith.mulf %broadcast_in_dim3A_124, %broadcast_in_dim3A_124 : vector<64x1xf32>
    %sub3A_142 = arith.constant 1.000000e+00 : f32
    %sub3A_143 = vector.broadcast %sub3A_142 : f32 to vector<64x1xf32>
    %sub3A_144 = arith.subf %sub3A_143, %broadcast_in_dim3A_124 : vector<64x1xf32>
    %sub3A_145 = arith.constant 1.000000e+00 : f32
    %sub3A_146 = vector.broadcast %sub3A_145 : f32 to vector<64x1xf32>
    %sub3A_147 = arith.subf %sub3A_146, %broadcast_in_dim3A_124 : vector<64x1xf32>
    %mul3A_148 = arith.mulf %sub3A_144, %sub3A_147 : vector<64x1xf32>
    %select_n3A_149 = arith.select %eq3A_140, %mul3A_141, %mul3A_148 : vector<64x1xi1>, vector<64x1xf32>
    %add3A_150 = arith.addf %select_n3A, %select_n3A_149 : vector<64x1xf32>
    %reduce_sum3A_151 = vector.shape_cast %add3A_150 : vector<64x1xf32> to vector<1x64x1xf32>
    %reduce_sum3A_152 = arith.constant dense<0.000000e+00> : vector<1xf32>
    %reduce_sum3A_153 = vector.multi_reduction <add>, %reduce_sum3A_151, %reduce_sum3A_152 [1, 2] : vector<1x64x1xf32> to vector<1xf32>
    %reduce_sum3A_154 = vector.shape_cast %reduce_sum3A_153 : vector<1xf32> to vector<1x1x1xf32>
    %reduce_sum3A_155 = vector.extract %reduce_sum3A_154[0, 0, 0] : f32 from vector<1x1x1xf32>
    %broadcast_in_dim3A_156 = vector.broadcast %reduce_sum3A_155 : f32 to vector<1x1xf32>
    %swap3A = arith.constant 0 : index
    %swap3A_157 = arith.constant 0 : index
    %swap3A_158 = vector.load %arg16[%swap3A, %swap3A_157] : memref<1x1xf32, #tpu.memory_space<vmem>>, vector<1x1xf32>
    tpu.vector_store %arg16[%swap3A, %swap3A_157], %broadcast_in_dim3A_156 {strides = array<i32>} : memref<1x1xf32, #tpu.memory_space<vmem>>, vector<1x1xf32>,
    return
  }
}

</mosaic_0001>

<sc_bundles>
// kernel: sc_edge_agg.4.cloned.1.call-start
scs
__scs_entry_jumppad:
0x0: {  	(pc) =	sbr.rel $0x88, $3  }
0x1: {  	(tag) =	ssettag $0x0;
	lr =	simm.s32 $0x1  }
0x2: {  	[smem:$0x3F91] =	sst lr;
	_ =	strace $0xD0000000  }
0x3: {  	_ = 	snop  }
0x4: {  	_ = 	snop  }
0x5: {  	_ = 	snop  }
0x6: {  	_ = 	snop  }
0x7: {  	_ = 	snop  }
__scs_overlays_trampoline_lowered:
0x8: {  	[smem:$0x3FA0] =	sst s0  }
0x9: {  	[smem:$0x3FA1] =	sst s1  }
0xa: {  	[smem:$0x3FA2] =	sst s2  }
0xb: {  	[smem:$0x3FA3] =	sst s3  }
0xc: {  	[smem:$0x3FA4] =	sst s4  }
0xd: {  	[smem:$0x3FA5] =	sst s5  }
0xe: {  	[smem:$0x3FA6] =	sst s6  }
0xf: {  	[smem:$0x3FA7] =	sst s7  }
0x10: {  	[smem:$0x3FA8] =	sst s8  }
0x11: {  	[smem:$0x3FA9] =	sst s9;
	s0 =	simm.s32 @!p0 $0x0  }
0x12: {  	s1 =	sld [smem:$0x3F8F];
	s0 =	simm.s32 @p0 $0x1  }
0x13: {  	[smem:$0x3FAA] =	sst s0;
	s0 =	simm.s32 @!p1 $0x0  }
0x14: {  	s2 =	sld [smem:$0x3F8E];
	s0 =	simm.s32 @p1 $0x1  }
0x15: {  	[smem:$0x3FAB] =	sst s0;
	s0 =	simm.s32 @!p2 $0x0  }
0x16: {  	s3 =	sld [smem:$0x3FDB];
	s0 =	simm.s32 @p2 $0x1  }
0x17: {  	s4 =	simm.s32 $0x1BF5;
	[smem:$0x3FAD] =	sst s0  }
0x18: {  	s0 =	sld [smem:$0x3F90];
	_ =	swait.ge [sflag:s4], $0x0  }
0x19: {  	s7 =	sld [smem:$0x3F91]  }
0x1a: {  	s8 =	sadd.s32 $0xFFFFE003, lr  }
0x1b: {  	s9 =	sadd.s32 $0xFFFFFEF7, lr;
	s5 =	simm.s32 $0xFFFFFFFF;
	p2 =	slt.u32 s8, $0xFFFFF086  }
0x1c: {  	p1 =	slt.u32 s9, $0xF7A;
	s5 =	simm.s32 @!p2 $0x0  }
0x1d: {  	s5 =	simm.s32 @p1 $0x1;
	p0 =	seq.s32 s7, s2  }
0x1e: {  	s7 =	smul.u32 @!p0 $0xF7A, s2;
	p2 =	seq.s32 @!p0 s5, $0x0  }
0x1f: {  	s9 =	smul.u32 $0xF7A, s1;
	s8 =	simm.s32 @!p0 $0x1BF5;
	p2 =	por !p2, p0  }
0x20: {  	[sflag:s8] =	ssyncset.s32 @!p0 $0xFFFFF086;
	s6 =	sadd.s32 @!p0 s3, s7;
	s7 =	simm.s32 @!p0 $0x108  }
0x21: {  	s3 =	sadd.s32 s3, s9;
	s6 =	sadd.s32 @!p0 $0x88, s6;
	s7 =	simm.s32 @p2 $0x1082  }
0x22: {  	[simem:s7], [sflag:s8] =	dma.local @!p0 [hbm:s6], $0xF7A  }
0x23: {  	s9 =	sor.u32 $0xD0000000, s2;
	s6 =	simm.s32 $0x108;
	_ =	swait.ge @!p0 [sflag:s8], $0x0  }
0x24: {  	s3 =	sadd.s32 $0x88, s3;
	s6 =	simm.s32 @!p1 $0x1082;
	[sflag:s4] =	ssyncset.s32 $0xFFFFF086  }
0x25: {  	[simem:s6], [sflag:s4] =	dma.local [hbm:s3], $0xF7A  }
0x26: {  	[smem:$0x3F91] =	sst s1;
	(tag) =	ssettag s2;
	_ =	strace s9  }
0x27: {  	s1 =	sld [smem:$0x3FA1]  }
0x28: {  	s2 =	sld [smem:$0x3FA2]  }
0x29: {  	s4 =	sld [smem:$0x3FA4]  }
0x2a: {  	p0 =	seq.s32 s5, $0x0;
	s5 =	sld [smem:$0x3FA5]  }
0x2b: {  	s6 =	sld [smem:$0x3FA6]  }
0x2c: {  	s7 =	sld [smem:$0x3FA7]  }
0x2d: {  	s3 =	simm.s32 $0x108;
	s8 =	sld [smem:$0x3FA8]  }
0x2e: {  	s3 =	simm.s32 @!p0 $0x1082;
	s9 =	sld [smem:$0x3FA9]  }
0x2f: {  	lr =	sadd.s32 s0, s3;
	s0 =	sld [smem:$0x3FA0]  }
0x30: {  	s3 =	sld [smem:$0x3FA3]  }
0x31: {  	[smem:$0x3FAC] =	sst s10  }
0x32: {  	s10 =	sld [smem:$0x3FAA];
	_ =	sdelay $0x3  }
0x33: {  	p0 =	seq.s32 s10, $0x1;
	s10 =	sld [smem:$0x3FAC];
	_ =	sdelay $0x3  }
0x34: {  	[smem:$0x3FAC] =	sst s10  }
0x35: {  	s10 =	sld [smem:$0x3FAB];
	_ =	sdelay $0x3  }
0x36: {  	p1 =	seq.s32 s10, $0x1;
	s10 =	sld [smem:$0x3FAC];
	_ =	sdelay $0x3  }
0x37: {  	[smem:$0x3FAC] =	sst s10  }
0x38: {  	s10 =	sld [smem:$0x3FAD]  }
0x39: {  	_ = 	snop;
	(pc) =	sbr.ind lr, $3  }
0x3a: {  	_ = 	snop  }
0x3b: {  	_ = 	snop  }
0x3c: {  	p2 =	seq.s32 s10, $0x1;
	s10 =	sld [smem:$0x3FAC]  }
0x3d: {  	_ =	shalt  }
0x3e: {  	_ =	shalt  }
0x3f: {  	_ =	shalt  }
0x40: {  	_ =	shalt  }
0x41: {  	_ =	shalt  }
0x42: {  	_ =	shalt  }
0x43: {  	_ =	shalt  }
0x44: {  	_ =	shalt  }
0x45: {  	_ =	shalt  }
0x46: {  	_ =	shalt  }
0x47: {  	_ =	shalt  }
0x48: {  	_ =	shalt  }
0x49: {  	_ =	shalt  }
0x4a: {  	_ =	shalt  }
0x4b: {  	_ =	shalt  }
0x4c: {  	_ =	shalt  }
0x4d: {  	_ =	shalt  }
0x4e: {  	_ =	shalt  }
0x4f: {  	_ =	shalt  }
0x50: {  	_ =	shalt  }
0x51: {  	_ =	shalt  }
0x52: {  	_ =	shalt  }
0x53: {  	_ =	shalt  }
0x54: {  	_ =	shalt  }
0x55: {  	_ =	shalt  }
0x56: {  	_ =	shalt  }
0x57: {  	_ =	shalt  }
0x58: {  	_ =	shalt  }
0x59: {  	_ =	shalt  }
0x5a: {  	_ =	shalt  }
0x5b: {  	_ =	shalt  }
0x5c: {  	_ =	shalt  }
0x5d: {  	_ =	shalt  }
0x5e: {  	_ =	shalt  }
0x5f: {  	_ =	shalt  }
0x60: {  	_ =	shalt  }
0x61: {  	_ =	shalt  }
0x62: {  	_ =	shalt  }
0x63: {  	_ =	shalt  }
0x64: {  	_ =	shalt  }
0x65: {  	_ =	shalt  }
0x66: {  	_ =	shalt  }
0x67: {  	_ =	shalt  }
0x68: {  	_ =	shalt  }
0x69: {  	_ =	shalt  }
0x6a: {  	_ =	shalt  }
0x6b: {  	_ =	shalt  }
0x6c: {  	_ =	shalt  }
0x6d: {  	_ =	shalt  }
0x6e: {  	_ =	shalt  }
0x6f: {  	_ =	shalt  }
0x70: {  	_ =	shalt  }
0x71: {  	_ =	shalt  }
0x72: {  	_ =	shalt  }
0x73: {  	_ =	shalt  }
0x74: {  	_ =	shalt  }
0x75: {  	_ =	shalt  }
0x76: {  	_ =	shalt  }
0x77: {  	_ =	shalt  }
0x78: {  	_ =	shalt  }
0x79: {  	_ =	shalt  }
0x7a: {  	_ =	shalt  }
0x7b: {  	_ =	shalt  }
0x7c: {  	_ =	shalt  }
0x7d: {  	_ =	shalt  }
0x7e: {  	_ =	shalt  }
0x7f: {  	_ =	shalt  }
0x80: {  	_ =	shalt  }
0x81: {  	_ =	shalt  }
0x82: {  	_ =	shalt  }
0x83: {  	_ =	shalt  }
0x84: {  	_ =	shalt  }
0x85: {  	_ =	shalt  }
0x86: {  	_ =	shalt  }
0x87: {  	_ =	shalt  }
.Lfunc_end0:
.L_simem_size_0:
called_computation_lowered:
.L_overlay_start_0:
0x88: {  	s2 =	sld [smem:$0x3FD9]  }
0x89: {  	s3 =	sld [smem:$0x3FFE];
	_ =	sdelay $0x1  }
0x8a: {  	s1 =	srdreg.scid  }
0x8b: {  	s0 =	sand.u32 $0x1, s1  }
0x8c: {  	s17 =	sshll.u32 s0, $0xA;
	s2 =	sadd.s32 s3, s2  }
0x8d: {  	s2 =	sadd.s32 s2, s17  }
0x8e: {  	[smem:$0x3FB8] =	sst s2  }
0x8f: {  	_ = 	snop  }
0x90: {  	s2 =	sld [smem:$0x3FC9];
	(tm) =	ssettm $0x1  }
0x91: {  	s18 =	sld [smem:$0x3FFB];
	_ =	sdelay $0x3  }
0x92: {  	_ =	strace s18  }
0x93: {  	s3 =	sld [smem:$0x3FFC];
	_ =	sdelay $0x3  }
0x94: {  	_ =	strace s3  }
0x95: {  	s3 =	sld [smem:$0x3FFD];
	_ =	sdelay $0x3  }
0x96: {  	_ =	strace s3  }
0x97: {  	_ =	strace $0x8FFFFFFF  }
0x98: {  	s19 =	sld [smem:$0x3FDB];
	_ =	sdelay $0x1  }
0x99: {  	s4 =	simm.s32 $_scs_section_size  }
0x9a: {  	s5 =	simm.s32 $_size__tile_overlayer_lowered;
	s6 =	simm.s32 $_tile_overlayer_lowered  }
0x9b: {  	s22 =	simm.s32 $0x1BFF;
	s21 =	sshll.u32 s6, $0x1;
	s3 =	sadd.s32 s4, s19  }
0x9c: {  	s7 =	simm.s32 $0x0;
	s20 =	sshll.u32 s5, $0x1;
	s5 =	sadd.s32 s21, s3  }
0x9d: {  	[timem:s7], [sflag:s22] =	dma.local [hbm:s5], s20  }
0x9e: {  	_ =	swait.ge [sflag:s22], s20  }
0x9f: {  	s4 =	ssub.s32 $0x0, s20;
	[sflag:s22] =	ssyncset.done $0x0  }
0xa0: {  	[sflag:s22] =	ssyncadd.s32 s4;
	_ =	sdelay $0x1  }
0xa1: {  	s23 =	simm.s32 $0x1B8B  }
0xa2: {  	_ =	swait.ge [sflag:s23], $0x1  }
0xa3: {  	[sflag:s23] =	ssyncset.done $0x0  }
0xa4: {  	s25 =	simm.s32 $0x1B8E;
	s24 =	sld [smem:$0x3FFE];
	[sflag:s23] =	ssyncadd.s32 $0xFFFFFFFF  }
0xa5: {  	s26 =	simm.s32 $execute0_lowered;
	[smem:$0x3FD2] =	sst s25  }
0xa6: {  	s5 =	sshll.u32 s26, $0x1;
	_ =	strace $0x80000046;
	[dreg:$0x1] =	wrdreg $0xFFFFFFFF  }
0xa7: {  	s28 =	simm.s32 $_size_execute0_lowered;
	s3 =	sadd.s32 s3, s5;
	[dreg:$0x0] =	wrdreg $0x0  }
0xa8: {  	s5 =	sshll.u32 s28, $0x1;
	[dreg:$0x2] =	wrdreg s3  }
0xa9: {  	[dreg:$0x3] =	wrdreg s5  }
0xaa: {  	[dreg:$0x4] =	wrdreg $0xC0  }
0xab: {  	_ =	task [dreg:s7], $0x5FFFF  }
0xac: {  	[dreg:$0x1] =	wrdreg $0xFFFFFFFF  }
0xad: {  	[dreg:$0x0] =	wrdreg $0x60  }
0xae: {  	[dreg:$0x2] =	wrdreg s2  }
0xaf: {  	[dreg:$0x3] =	wrdreg s24  }
0xb0: {  	[dreg:$0x4] =	wrdreg $0x41000  }
0xb1: {  	[dreg:$0x5] =	wrdreg $0x9  }
0xb2: {  	_ =	task.clear_ibuf [dreg:s7], $0x6FFFF;
	_ =	strace $0x90000046  }
0xb3: {  	s29 =	simm.s32 $0x9;
	_ =	strace $0x80000048  }
0xb4: {  	_ =	swait.ge [sflag:s29], $0x1  }
0xb5: {  	[sflag:s29] =	ssyncadd.s32 $0xFFFFFFFF  }
0xb6: {  	_ =	strace $0x90000048  }
0xb7: {  	_ =	sfence  }
0xb8: {  	s30 =	sld [smem:$0x0];
	_ =	sdelay $0x2  }
0xb9: {  	s31 =	sshll.u32 s1, $0xD;
	s1 =	sshrl.u32 s1, $0x2  }
0xba: {  	s3 =	sand.u32 $0x4000, s31;
	s1 =	sadd.s32 s1, s30  }
0xbb: {  	s0 =	sor.u32 s3, s0;
	s1 =	sshll.u32 s1, $0x11  }
0xbc: {  	s0 =	sor.u32 s1, s0  }
0xbd: {  	s0 =	sadd.s32 $0x8F2B, s0  }
0xbe: {  	[sflag:s0] =	ssyncadd.remote.s32 $0x1  }
0xbf: {  	_ =	sfence.sel $0xFFFF  }
0xc0: {  	[dreg:$0x0] =	wrdreg $0xFFFFFFFF;
	(pc) =	sbr.abs _section_cstart, $3  }
0xc1: {  	[dreg:$0x1] =	wrdreg $0xFFFFFFFF  }
0xc2: {  	_ =	task.clear_ibuf [dreg:s7], $0x2FFFF;
	_ =	strace $0x9FFFFFFF  }
0xc3: {  	(tm) =	ssettm $0x7FFFFFFF  }
tec
execute0_lowered:
.L_overlay_start_1:
0x0: {  	(tag) =	ssettag $0x1  }
0x1: {  	s0 =	rddreg [dreg:$0x0]  }
0x2: {  	s7 =	rddreg [dreg:$0x1]  }
0x3: {  	s1 =	srdreg.scid;
	s3 =	rddreg [dreg:$0x2]  }
0x4: {  	s2 =	rddreg [dreg:$0x3];
	s4 =	simm.s32 $0x0;
	s6 =	sand.u32 $0x1, s1  }
0x5: {  	s19 =	simm.s32 $0x100;
	s1 =	stileid.u32;
	s5 =	smul.u32 $0x4F00, s6  }
0x6: {  	s20 =	simm.s32 $0x2;
	s21 =	simm.s32 $0x80;
	s8 =	smul.u32 $0x280, s1  }
0x7: {  	s22 =	simm.s32 $0x1;
	s23 =	simm.s32 $0x0;
	s9 =	smul.u32 $0x2800, s6  }
0x8: {  	[smem:$0x7FF] =	sst s4;
	s10 =	smul.u32 $0x50000, s1;
	s29 =	ssub.s32 $0x2, s6  }
0x9: {  	_ =	strace $0x80000047;
	s18 =	smul.u32 $0x4F0, s1;
	s31 =	sshrl.u32 s29, $0x1  }
0xa: {  	s15 =	sadd.s32 s5, s7;
	s5 =	sadd.s32 $0x18200, s7;
	s8 =	sadd.s32 s8, s9  }
0xb: {  	s30 =	sshrl.u32 s10, $0x2;
	s17 =	ssub.s32 s29, s31;
	s8 =	sshll.u32 s8, $0x4  }
0xc: {  	s6 =	sadd.s32 s30, s3;
	s18 =	sadd.s32 s18, s15;
	s16 =	sadd.s32 s8, s7  }
0xd: {  	s7 =	sadd.s32 $0x4000, s6;
	s8 =	sadd.s32 $0x8000, s6;
	s9 =	sadd.s32 $0xC000, s6  }
0xe: {  	s10 =	sadd.s32 $0x10000, s6;
	s11 =	sadd.s32 $0x18A00, s16;
	s12 =	sadd.s32 $0x19200, s16  }
0xf: {  	s13 =	sadd.s32 $0x19A00, s16;
	s14 =	sadd.s32 $0x1A200, s16;
	s15 =	sadd.s32 $0x1AA00, s16  }
0x10: {  	s16 =	smax.u32 s17, $0x1;
	s17 =	sadd.s32 $0xE400, s18;
	s18 =	sadd.s32 $0x4600, s18  }
.LBB2_1:
0x11: {  	[tilespmem:s19], [sflag:$0x2] =	stream.linear.gather [hbm4b:s5+s4], $0x4000, $0x38;
	[tilespmem:$0x18100] =	vst v63  }
0x12: {  	_ =	swait.ge [sflag:s20], $0x4000  }
0x13: {  	[sflag:s20] =	ssyncset.done $0x0  }
0x14: {  	[sflag:s20] =	ssyncadd.s32 $0xFFFFC000  }
0x15: {  	[spmem:s6] =	stream.linear.scatter [tilespmem:s19], [sflag:$0x2], $0x4000, $0x38;
	[tilespmem:$0x18100] =	vst v63  }
0x16: {  	_ =	swait.ge [sflag:s20], $0x4000  }
0x17: {  	[sflag:s20] =	ssyncset.done $0x0  }
0x18: {  	[sflag:s20] =	ssyncadd.s32 $0xFFFFC000  }
0x19: {  	[spmem:s7] =	stream.linear.scatter [tilespmem:s19], [sflag:$0x2], $0x4000, $0x38;
	[tilespmem:$0x18100] =	vst v63  }
0x1a: {  	_ =	swait.ge [sflag:s20], $0x4000  }
0x1b: {  	[sflag:s20] =	ssyncset.done $0x0  }
0x1c: {  	[sflag:s20] =	ssyncadd.s32 $0xFFFFC000  }
0x1d: {  	[spmem:s8] =	stream.linear.scatter [tilespmem:s19], [sflag:$0x2], $0x4000, $0x38;
	[tilespmem:$0x18100] =	vst v63  }
0x1e: {  	_ =	swait.ge [sflag:s20], $0x4000  }
0x1f: {  	[sflag:s20] =	ssyncset.done $0x0  }
0x20: {  	[sflag:s20] =	ssyncadd.s32 $0xFFFFC000  }
0x21: {  	[spmem:s9] =	stream.linear.scatter [tilespmem:s19], [sflag:$0x2], $0x4000, $0x38;
	[tilespmem:$0x18100] =	vst v63  }
0x22: {  	_ =	swait.ge [sflag:s20], $0x4000  }
0x23: {  	[sflag:s20] =	ssyncset.done $0x0  }
0x24: {  	[sflag:s20] =	ssyncadd.s32 $0xFFFFC000  }
0x25: {  	[spmem:s10] =	stream.linear.scatter [tilespmem:s19], [sflag:$0x2], $0x4000, $0x38;
	[tilespmem:$0x18100] =	vst v63  }
0x26: {  	_ =	swait.ge [sflag:s20], $0x4000  }
0x27: {  	[sflag:s20] =	ssyncset.done $0x0  }
0x28: {  	[sflag:s20] =	ssyncadd.s32 $0xFFFFC000  }
0x29: {  	s24 =	sadd.s32 $0x0, s18;
	[bflag:$0x0] =	sbarrier.arrive $0xFFFF  }
0x2a: {  	[tilespmem:s4], [sflag:$0x2] =	stream.linear.gather [hbm4b:s24+s4], $0x80, $0x38;
	[tilespmem:$0x18100] =	vst v63  }
0x2b: {  	_ =	swait.ge [sflag:s20], $0x80  }
0x2c: {  	[sflag:s20] =	ssyncset.done $0x0  }
0x2d: {  	s31 =	sadd.s32 $0x0, s17;
	[sflag:s20] =	ssyncadd.s32 $0xFFFFFF80  }
0x2e: {  	[tilespmem:s21], [sflag:$0x2] =	stream.linear.gather [hbm4b:s31+s4], $0x80, $0x38;
	[tilespmem:$0x18100] =	vst v63  }
0x2f: {  	_ =	swait.ge [sflag:s20], $0x80  }
0x30: {  	[sflag:s20] =	ssyncset.done $0x0  }
0x31: {  	[sflag:s20] =	ssyncadd.s32 $0xFFFFFF80  }
0x32: {  	[tilespmem:s19], [sflag:$0x1] =	stream.indirect.gather [hbm4b:s0+s21], $0x80, s4, s21, $0xb8;
	[tilespmem:$0x18100] =	vst v63  }
0x33: {  	_ =	swait.ge [sflag:s22], $0x4000  }
0x34: {  	[sflag:s22] =	ssyncset.done $0x0  }
0x35: {  	[sflag:s22] =	ssyncadd.s32 $0xFFFFC000  }
0x36: {  	[spmem:s3] =	stream.indirect.scatter.add.f32 [tilespmem:s19], [sflag:$0x2], $0x80, s21, s21, $0xb8;
	[tilespmem:$0x18100] =	vst v63  }
0x37: {  	_ =	swait.ge [sflag:s20], $0x4000  }
0x38: {  	s25 =	simm.s32 $0x20;
	s24 =	simm.s32 $0x10;
	[sflag:s20] =	ssyncset.done $0x0  }
.LBB2_2:
0x39: {  	s26 =	sadd.s32 s24, s18  }
0x3a: {  	[sflag:s20] =	ssyncadd.s32 $0xFFFFC000;
	s28 =	smov.u32 s25;
	s29 =	sadd.s32 $0x10, s25  }
0x3b: {  	[tilespmem:s4], [sflag:$0x2] =	stream.linear.gather [hbm4b:s26+s4], $0x80, $0x38;
	[tilespmem:$0x18100] =	vst v63  }
0x3c: {  	p0 =	sne.s32 s25, $0x4E0;
	_ =	swait.ge [sflag:s20], $0x80  }
0x3d: {  	[sflag:s20] =	ssyncset.done $0x0  }
0x3e: {  	s25 =	sadd.s32 s24, s17;
	s24 =	smov.u32 s28;
	[sflag:s20] =	ssyncadd.s32 $0xFFFFFF80  }
0x3f: {  	[tilespmem:s21], [sflag:$0x2] =	stream.linear.gather [hbm4b:s25+s4], $0x80, $0x38;
	[tilespmem:$0x18100] =	vst v63  }
0x40: {  	_ =	swait.ge [sflag:s20], $0x80  }
0x41: {  	[sflag:s20] =	ssyncset.done $0x0  }
0x42: {  	[sflag:s20] =	ssyncadd.s32 $0xFFFFFF80  }
0x43: {  	[tilespmem:s19], [sflag:$0x1] =	stream.indirect.gather [hbm4b:s0+s21], $0x80, s4, s21, $0xb8;
	[tilespmem:$0x18100] =	vst v63  }
0x44: {  	_ =	swait.ge [sflag:s22], $0x4000  }
.Ltmp0:
0x45: {  	[sflag:s22] =	ssyncset.done $0x0;
	(pc) =	sbr.rel @p0 .LBB2_2-.Ltmp0, $4  }
0x46: {  	[sflag:s22] =	ssyncadd.s32 $0xFFFFC000  }
0x47: {  	[spmem:s3] =	stream.indirect.scatter.add.f32 [tilespmem:s19], [sflag:$0x2], $0x80, s21, s21, $0xb8;
	[tilespmem:$0x18100] =	vst v63  }
0x48: {  	_ =	swait.ge [sflag:s20], $0x4000  }
0x49: {  	s25 =	smov.u32 s29;
	[sflag:s20] =	ssyncset.done $0x0  }
0x4a: {  	s25 =	sadd.s32 s24, s18;
	[sflag:s20] =	ssyncadd.s32 $0xFFFFC000  }
0x4b: {  	[tilespmem:s4], [sflag:$0x2] =	stream.linear.gather [hbm4b:s25+s4], $0x80, $0x38;
	[tilespmem:$0x18100] =	vst v63  }
0x4c: {  	_ =	swait.ge [sflag:s20], $0x80  }
0x4d: {  	[sflag:s20] =	ssyncset.done $0x0  }
0x4e: {  	s31 =	sadd.s32 s24, s17;
	[sflag:s20] =	ssyncadd.s32 $0xFFFFFF80  }
0x4f: {  	[tilespmem:s21], [sflag:$0x2] =	stream.linear.gather [hbm4b:s31+s4], $0x80, $0x38;
	[tilespmem:$0x18100] =	vst v63  }
0x50: {  	_ =	swait.ge [sflag:s20], $0x80  }
0x51: {  	[sflag:s20] =	ssyncset.done $0x0  }
0x52: {  	[sflag:s20] =	ssyncadd.s32 $0xFFFFFF80  }
0x53: {  	[tilespmem:s19], [sflag:$0x1] =	stream.indirect.gather [hbm4b:s0+s21], $0x80, s4, s21, $0xb8;
	[tilespmem:$0x18100] =	vst v63  }
0x54: {  	_ =	swait.ge [sflag:s22], $0x4000  }
0x55: {  	[sflag:s22] =	ssyncset.done $0x0  }
0x56: {  	[sflag:s22] =	ssyncadd.s32 $0xFFFFC000  }
0x57: {  	[spmem:s3] =	stream.indirect.scatter.add.f32 [tilespmem:s19], [sflag:$0x2], $0x80, s21, s21, $0xb8;
	[tilespmem:$0x18100] =	vst v63  }
0x58: {  	_ =	swait.ge [sflag:s20], $0x4000  }
0x59: {  	[sflag:s20] =	ssyncset.done $0x0  }
0x5a: {  	[sflag:s20] =	ssyncadd.s32 $0xFFFFC000  }
0x5b: {  	[bflag:$0x0] =	sbarrier.arrive $0xFFFF  }
0x5c: {  	[tilespmem:s19], [sflag:$0x2] =	stream.linear.gather [spmem:s6], $0x4000, $0x38;
	[tilespmem:$0x18100] =	vst v63  }
0x5d: {  	_ =	swait.ge [sflag:s20], $0x4000  }
0x5e: {  	[sflag:s20] =	ssyncset.done $0x0  }
0x5f: {  	[sflag:s20] =	ssyncadd.s32 $0xFFFFC000  }
0x60: {  	[hbm4b:s11+s4] =	stream.linear.scatter [tilespmem:s19], [sflag:$0x2], $0x4000, $0x38;
	[tilespmem:$0x18100] =	vst v63  }
0x61: {  	_ =	swait.ge [sflag:s20], $0x4000  }
0x62: {  	[sflag:s20] =	ssyncset.done $0x0  }
0x63: {  	[sflag:s20] =	ssyncadd.s32 $0xFFFFC000  }
0x64: {  	[tilespmem:s19], [sflag:$0x2] =	stream.linear.gather [spmem:s7], $0x4000, $0x38;
	[tilespmem:$0x18100] =	vst v63  }
0x65: {  	_ =	swait.ge [sflag:s20], $0x4000  }
0x66: {  	[sflag:s20] =	ssyncset.done $0x0  }
0x67: {  	[sflag:s20] =	ssyncadd.s32 $0xFFFFC000  }
0x68: {  	[hbm4b:s12+s4] =	stream.linear.scatter [tilespmem:s19], [sflag:$0x2], $0x4000, $0x38;
	[tilespmem:$0x18100] =	vst v63  }
0x69: {  	_ =	swait.ge [sflag:s20], $0x4000  }
0x6a: {  	[sflag:s20] =	ssyncset.done $0x0  }
0x6b: {  	[sflag:s20] =	ssyncadd.s32 $0xFFFFC000  }
0x6c: {  	[tilespmem:s19], [sflag:$0x2] =	stream.linear.gather [spmem:s8], $0x4000, $0x38;
	[tilespmem:$0x18100] =	vst v63  }
0x6d: {  	_ =	swait.ge [sflag:s20], $0x4000  }
0x6e: {  	[sflag:s20] =	ssyncset.done $0x0  }
0x6f: {  	[sflag:s20] =	ssyncadd.s32 $0xFFFFC000  }
0x70: {  	[hbm4b:s13+s4] =	stream.linear.scatter [tilespmem:s19], [sflag:$0x2], $0x4000, $0x38;
	[tilespmem:$0x18100] =	vst v63  }
0x71: {  	_ =	swait.ge [sflag:s20], $0x4000  }
0x72: {  	[sflag:s20] =	ssyncset.done $0x0  }
0x73: {  	[sflag:s20] =	ssyncadd.s32 $0xFFFFC000  }
0x74: {  	[tilespmem:s19], [sflag:$0x2] =	stream.linear.gather [spmem:s9], $0x4000, $0x38;
	[tilespmem:$0x18100] =	vst v63  }
0x75: {  	_ =	swait.ge [sflag:s20], $0x4000  }
0x76: {  	[sflag:s20] =	ssyncset.done $0x0  }
0x77: {  	[sflag:s20] =	ssyncadd.s32 $0xFFFFC000  }
0x78: {  	[hbm4b:s14+s4] =	stream.linear.scatter [tilespmem:s19], [sflag:$0x2], $0x4000, $0x38;
	[tilespmem:$0x18100] =	vst v63  }
0x79: {  	_ =	swait.ge [sflag:s20], $0x4000  }
0x7a: {  	[sflag:s20] =	ssyncset.done $0x0  }
0x7b: {  	[sflag:s20] =	ssyncadd.s32 $0xFFFFC000  }
0x7c: {  	[tilespmem:s19], [sflag:$0x2] =	stream.linear.gather [spmem:s10], $0x4000, $0x38;
	[tilespmem:$0x18100] =	vst v63  }
0x7d: {  	s23 =	sadd.s32 $0x1, s23;
	_ =	swait.ge [sflag:s20], $0x4000  }
0x7e: {  	p0 =	sne.s32 s23, s16;
	[sflag:s20] =	ssyncset.done $0x0  }
.Ltmp1:
0x7f: {  	[sflag:s20] =	ssyncadd.s32 $0xFFFFC000;
	(pc) =	sbr.rel @p0 .LBB2_1-.Ltmp1, $4  }
0x80: {  	[hbm4b:s15+s4] =	stream.linear.scatter [tilespmem:s19], [sflag:$0x2], $0x4000, $0x38;
	[tilespmem:$0x18100] =	vst v63  }
0x81: {  	_ =	swait.ge [sflag:s20], $0x4000  }
0x82: {  	[sflag:s20] =	ssyncset.done $0x0  }
0x83: {  	[sflag:s20] =	ssyncadd.s32 $0xFFFFC000  }
0x84: {  	_ =	sfence.sel $0x180000  }
0x85: {  	[bflag:$0x0] =	sbarrier.arrive $0xFFFF  }
0x86: {  	p0 =	sne.s32 s1, $0x0;
	_ =	strace $0x90000047  }
0x87: {  	s0 =	sadd.s32 @!p0 $0x100000, s2;
	[bflag:$0x2] =	sbarrier.arrive $0xFFFF  }
0x88: {  	[sflag:s0] =	ssyncadd.tile.s32 @!p0 $0x1;
	_ =	shalt  }
.Lfunc_end2:
_tile_overlayer_lowered:
.L_overlay_start_2:
0x89: {  	(tag) =	ssettag $0x2  }
0x8a: {  	s0 =	rddreg [dreg:$0x0];
	s2 =	stileid.u32  }
0x8b: {  	s1 =	rddreg [dreg:$0x1];
	p0 =	sne.s32 s2, $0x0  }
0x8c: {  	s3 =	rddreg [dreg:$0x2];
	[bflag:$0x3] =	sbarrier.arrive $0xFFFF;
	s2 =	simm.s32 @!p0 $0x1C02  }
0x8d: {  	[timem:s3], [sflag:s2] =	dma.local @!p0 [hbm:s0], s1  }
0x8e: {  	s0 =	simm.s32 @!p0 $0x2  }
0x8f: {  	_ =	swait.ge @!p0 [sflag:s0], s1  }
0x90: {  	s1 =	ssub.s32 @!p0 $0x0, s1;
	[sflag:s0] =	ssyncset.done @!p0 $0x0  }
0x91: {  	[sflag:s0] =	ssyncadd.s32 @!p0 s1  }
0x92: {  	[bflag:$0x3] =	sbarrier.arrive $0xFFFF  }
0x93: {  	_ =	shalt  }

// kernel: sc_edge_agg.7.cloned.1.call-start
scs
__scs_entry_jumppad:
0x0: {  	(pc) =	sbr.rel $0x88, $3  }
0x1: {  	(tag) =	ssettag $0x0;
	lr =	simm.s32 $0x1  }
0x2: {  	[smem:$0x3F91] =	sst lr;
	_ =	strace $0xD0000000  }
0x3: {  	_ = 	snop  }
0x4: {  	_ = 	snop  }
0x5: {  	_ = 	snop  }
0x6: {  	_ = 	snop  }
0x7: {  	_ = 	snop  }
__scs_overlays_trampoline_lowered:
0x8: {  	[smem:$0x3FA0] =	sst s0  }
0x9: {  	[smem:$0x3FA1] =	sst s1  }
0xa: {  	[smem:$0x3FA2] =	sst s2  }
0xb: {  	[smem:$0x3FA3] =	sst s3  }
0xc: {  	[smem:$0x3FA4] =	sst s4  }
0xd: {  	[smem:$0x3FA5] =	sst s5  }
0xe: {  	[smem:$0x3FA6] =	sst s6  }
0xf: {  	[smem:$0x3FA7] =	sst s7  }
0x10: {  	[smem:$0x3FA8] =	sst s8  }
0x11: {  	[smem:$0x3FA9] =	sst s9;
	s0 =	simm.s32 @!p0 $0x0  }
0x12: {  	s1 =	sld [smem:$0x3F8F];
	s0 =	simm.s32 @p0 $0x1  }
0x13: {  	[smem:$0x3FAA] =	sst s0;
	s0 =	simm.s32 @!p1 $0x0  }
0x14: {  	s2 =	sld [smem:$0x3F8E];
	s0 =	simm.s32 @p1 $0x1  }
0x15: {  	[smem:$0x3FAB] =	sst s0;
	s0 =	simm.s32 @!p2 $0x0  }
0x16: {  	s3 =	sld [smem:$0x3FDB];
	s0 =	simm.s32 @p2 $0x1  }
0x17: {  	s4 =	simm.s32 $0x1BF5;
	[smem:$0x3FAD] =	sst s0  }
0x18: {  	s0 =	sld [smem:$0x3F90];
	_ =	swait.ge [sflag:s4], $0x0  }
0x19: {  	s7 =	sld [smem:$0x3F91]  }
0x1a: {  	s8 =	sadd.s32 $0xFFFFE003, lr  }
0x1b: {  	s9 =	sadd.s32 $0xFFFFFEF7, lr;
	s5 =	simm.s32 $0xFFFFFFFF;
	p2 =	slt.u32 s8, $0xFFFFF086  }
0x1c: {  	p1 =	slt.u32 s9, $0xF7A;
	s5 =	simm.s32 @!p2 $0x0  }
0x1d: {  	s5 =	simm.s32 @p1 $0x1;
	p0 =	seq.s32 s7, s2  }
0x1e: {  	s7 =	smul.u32 @!p0 $0xF7A, s2;
	p2 =	seq.s32 @!p0 s5, $0x0  }
0x1f: {  	s9 =	smul.u32 $0xF7A, s1;
	s8 =	simm.s32 @!p0 $0x1BF5;
	p2 =	por !p2, p0  }
0x20: {  	[sflag:s8] =	ssyncset.s32 @!p0 $0xFFFFF086;
	s6 =	sadd.s32 @!p0 s3, s7;
	s7 =	simm.s32 @!p0 $0x108  }
0x21: {  	s3 =	sadd.s32 s3, s9;
	s6 =	sadd.s32 @!p0 $0x88, s6;
	s7 =	simm.s32 @p2 $0x1082  }
0x22: {  	[simem:s7], [sflag:s8] =	dma.local @!p0 [hbm:s6], $0xF7A  }
0x23: {  	s9 =	sor.u32 $0xD0000000, s2;
	s6 =	simm.s32 $0x108;
	_ =	swait.ge @!p0 [sflag:s8], $0x0  }
0x24: {  	s3 =	sadd.s32 $0x88, s3;
	s6 =	simm.s32 @!p1 $0x1082;
	[sflag:s4] =	ssyncset.s32 $0xFFFFF086  }
0x25: {  	[simem:s6], [sflag:s4] =	dma.local [hbm:s3], $0xF7A  }
0x26: {  	[smem:$0x3F91] =	sst s1;
	(tag) =	ssettag s2;
	_ =	strace s9  }
0x27: {  	s1 =	sld [smem:$0x3FA1]  }
0x28: {  	s2 =	sld [smem:$0x3FA2]  }
0x29: {  	s4 =	sld [smem:$0x3FA4]  }
0x2a: {  	p0 =	seq.s32 s5, $0x0;
	s5 =	sld [smem:$0x3FA5]  }
0x2b: {  	s6 =	sld [smem:$0x3FA6]  }
0x2c: {  	s7 =	sld [smem:$0x3FA7]  }
0x2d: {  	s3 =	simm.s32 $0x108;
	s8 =	sld [smem:$0x3FA8]  }
0x2e: {  	s3 =	simm.s32 @!p0 $0x1082;
	s9 =	sld [smem:$0x3FA9]  }
0x2f: {  	lr =	sadd.s32 s0, s3;
	s0 =	sld [smem:$0x3FA0]  }
0x30: {  	s3 =	sld [smem:$0x3FA3]  }
0x31: {  	[smem:$0x3FAC] =	sst s10  }
0x32: {  	s10 =	sld [smem:$0x3FAA];
	_ =	sdelay $0x3  }
0x33: {  	p0 =	seq.s32 s10, $0x1;
	s10 =	sld [smem:$0x3FAC];
	_ =	sdelay $0x3  }
0x34: {  	[smem:$0x3FAC] =	sst s10  }
0x35: {  	s10 =	sld [smem:$0x3FAB];
	_ =	sdelay $0x3  }
0x36: {  	p1 =	seq.s32 s10, $0x1;
	s10 =	sld [smem:$0x3FAC];
	_ =	sdelay $0x3  }
0x37: {  	[smem:$0x3FAC] =	sst s10  }
0x38: {  	s10 =	sld [smem:$0x3FAD]  }
0x39: {  	_ = 	snop;
	(pc) =	sbr.ind lr, $3  }
0x3a: {  	_ = 	snop  }
0x3b: {  	_ = 	snop  }
0x3c: {  	p2 =	seq.s32 s10, $0x1;
	s10 =	sld [smem:$0x3FAC]  }
0x3d: {  	_ =	shalt  }
0x3e: {  	_ =	shalt  }
0x3f: {  	_ =	shalt  }
0x40: {  	_ =	shalt  }
0x41: {  	_ =	shalt  }
0x42: {  	_ =	shalt  }
0x43: {  	_ =	shalt  }
0x44: {  	_ =	shalt  }
0x45: {  	_ =	shalt  }
0x46: {  	_ =	shalt  }
0x47: {  	_ =	shalt  }
0x48: {  	_ =	shalt  }
0x49: {  	_ =	shalt  }
0x4a: {  	_ =	shalt  }
0x4b: {  	_ =	shalt  }
0x4c: {  	_ =	shalt  }
0x4d: {  	_ =	shalt  }
0x4e: {  	_ =	shalt  }
0x4f: {  	_ =	shalt  }
0x50: {  	_ =	shalt  }
0x51: {  	_ =	shalt  }
0x52: {  	_ =	shalt  }
0x53: {  	_ =	shalt  }
0x54: {  	_ =	shalt  }
0x55: {  	_ =	shalt  }
0x56: {  	_ =	shalt  }
0x57: {  	_ =	shalt  }
0x58: {  	_ =	shalt  }
0x59: {  	_ =	shalt  }
0x5a: {  	_ =	shalt  }
0x5b: {  	_ =	shalt  }
0x5c: {  	_ =	shalt  }
0x5d: {  	_ =	shalt  }
0x5e: {  	_ =	shalt  }
0x5f: {  	_ =	shalt  }
0x60: {  	_ =	shalt  }
0x61: {  	_ =	shalt  }
0x62: {  	_ =	shalt  }
0x63: {  	_ =	shalt  }
0x64: {  	_ =	shalt  }
0x65: {  	_ =	shalt  }
0x66: {  	_ =	shalt  }
0x67: {  	_ =	shalt  }
0x68: {  	_ =	shalt  }
0x69: {  	_ =	shalt  }
0x6a: {  	_ =	shalt  }
0x6b: {  	_ =	shalt  }
0x6c: {  	_ =	shalt  }
0x6d: {  	_ =	shalt  }
0x6e: {  	_ =	shalt  }
0x6f: {  	_ =	shalt  }
0x70: {  	_ =	shalt  }
0x71: {  	_ =	shalt  }
0x72: {  	_ =	shalt  }
0x73: {  	_ =	shalt  }
0x74: {  	_ =	shalt  }
0x75: {  	_ =	shalt  }
0x76: {  	_ =	shalt  }
0x77: {  	_ =	shalt  }
0x78: {  	_ =	shalt  }
0x79: {  	_ =	shalt  }
0x7a: {  	_ =	shalt  }
0x7b: {  	_ =	shalt  }
0x7c: {  	_ =	shalt  }
0x7d: {  	_ =	shalt  }
0x7e: {  	_ =	shalt  }
0x7f: {  	_ =	shalt  }
0x80: {  	_ =	shalt  }
0x81: {  	_ =	shalt  }
0x82: {  	_ =	shalt  }
0x83: {  	_ =	shalt  }
0x84: {  	_ =	shalt  }
0x85: {  	_ =	shalt  }
0x86: {  	_ =	shalt  }
0x87: {  	_ =	shalt  }
.Lfunc_end0:
.L_simem_size_0:
called_computation.2_lowered:
.L_overlay_start_0:
0x88: {  	s2 =	sld [smem:$0x3FD9]  }
0x89: {  	s3 =	sld [smem:$0x3FFE];
	_ =	sdelay $0x1  }
0x8a: {  	s1 =	srdreg.scid  }
0x8b: {  	s0 =	sand.u32 $0x1, s1  }
0x8c: {  	s16 =	sshll.u32 s0, $0xA;
	s2 =	sadd.s32 s3, s2  }
0x8d: {  	s2 =	sadd.s32 s2, s16  }
0x8e: {  	[smem:$0x3FB8] =	sst s2  }
0x8f: {  	_ = 	snop  }
0x90: {  	(tm) =	ssettm $0x1  }
0x91: {  	s17 =	sld [smem:$0x3FFB];
	_ =	sdelay $0x3  }
0x92: {  	_ =	strace s17  }
0x93: {  	s2 =	sld [smem:$0x3FFC];
	_ =	sdelay $0x3  }
0x94: {  	_ =	strace s2  }
0x95: {  	s2 =	sld [smem:$0x3FFD];
	_ =	sdelay $0x3  }
0x96: {  	_ =	strace s2  }
0x97: {  	_ =	strace $0x8FFFFFFF  }
0x98: {  	s18 =	sld [smem:$0x3FDB];
	_ =	sdelay $0x1  }
0x99: {  	s19 =	simm.s32 $_scs_section_size  }
0x9a: {  	s4 =	simm.s32 $_size__tile_overlayer_lowered;
	s5 =	simm.s32 $_tile_overlayer_lowered  }
0x9b: {  	s22 =	simm.s32 $0x1BFF;
	s21 =	sshll.u32 s5, $0x1;
	s2 =	sadd.s32 s19, s18  }
0x9c: {  	s6 =	simm.s32 $0x0;
	s20 =	sshll.u32 s4, $0x1;
	s4 =	sadd.s32 s21, s2  }
0x9d: {  	[timem:s6], [sflag:s22] =	dma.local [hbm:s4], s20  }
0x9e: {  	_ =	swait.ge [sflag:s22], s20  }
0x9f: {  	s3 =	ssub.s32 $0x0, s20;
	[sflag:s22] =	ssyncset.done $0x0  }
0xa0: {  	[sflag:s22] =	ssyncadd.s32 s3;
	_ =	sdelay $0x1  }
0xa1: {  	s23 =	simm.s32 $0x1B8B  }
0xa2: {  	_ =	swait.ge [sflag:s23], $0x1  }
0xa3: {  	[sflag:s23] =	ssyncset.done $0x0  }
0xa4: {  	s25 =	simm.s32 $0x1B8E;
	s24 =	sld [smem:$0x3FFE];
	[sflag:s23] =	ssyncadd.s32 $0xFFFFFFFF  }
0xa5: {  	s26 =	simm.s32 $execute0_lowered;
	[smem:$0x3FD2] =	sst s25  }
0xa6: {  	s4 =	sshll.u32 s26, $0x1;
	_ =	strace $0x8000004C;
	[dreg:$0x1] =	wrdreg $0xFFFFFFFF  }
0xa7: {  	s28 =	simm.s32 $_size_execute0_lowered;
	s2 =	sadd.s32 s2, s4;
	[dreg:$0x0] =	wrdreg $0x0  }
0xa8: {  	s4 =	sshll.u32 s28, $0x1;
	[dreg:$0x2] =	wrdreg s2  }
0xa9: {  	[dreg:$0x3] =	wrdreg s4  }
0xaa: {  	[dreg:$0x4] =	wrdreg $0xC0  }
0xab: {  	_ =	task [dreg:s6], $0x5FFFF  }
0xac: {  	[dreg:$0x1] =	wrdreg $0xFFFFFFFF  }
0xad: {  	[dreg:$0x0] =	wrdreg $0x60  }
0xae: {  	[dreg:$0x2] =	wrdreg s24  }
0xaf: {  	[dreg:$0x3] =	wrdreg $0x41000  }
0xb0: {  	[dreg:$0x4] =	wrdreg $0x9  }
0xb1: {  	_ =	task.clear_ibuf [dreg:s6], $0x5FFFF;
	_ =	strace $0x9000004C  }
0xb2: {  	s29 =	simm.s32 $0x9;
	_ =	strace $0x8000004E  }
0xb3: {  	_ =	swait.ge [sflag:s29], $0x1  }
0xb4: {  	[sflag:s29] =	ssyncadd.s32 $0xFFFFFFFF  }
0xb5: {  	_ =	strace $0x9000004E  }
0xb6: {  	_ =	sfence  }
0xb7: {  	s30 =	sld [smem:$0x0];
	_ =	sdelay $0x2  }
0xb8: {  	s31 =	sshll.u32 s1, $0xD;
	s1 =	sshrl.u32 s1, $0x2  }
0xb9: {  	s3 =	sand.u32 $0x4000, s31;
	s1 =	sadd.s32 s1, s30  }
0xba: {  	s0 =	sor.u32 s3, s0;
	s1 =	sshll.u32 s1, $0x11  }
0xbb: {  	s0 =	sor.u32 s1, s0  }
0xbc: {  	s0 =	sadd.s32 $0x8F2B, s0  }
0xbd: {  	[sflag:s0] =	ssyncadd.remote.s32 $0x1  }
0xbe: {  	_ =	sfence.sel $0xFFFF  }
0xbf: {  	[dreg:$0x0] =	wrdreg $0xFFFFFFFF;
	(pc) =	sbr.abs _section_cstart, $3  }
0xc0: {  	[dreg:$0x1] =	wrdreg $0xFFFFFFFF  }
0xc1: {  	_ =	task.clear_ibuf [dreg:s6], $0x2FFFF;
	_ =	strace $0x9FFFFFFF  }
0xc2: {  	(tm) =	ssettm $0x7FFFFFFF  }
0xc3: {  	_ =	shalt  }
tec
execute0_lowered:
.L_overlay_start_1:
0x0: {  	(tag) =	ssettag $0x1  }
0x1: {  	s7 =	rddreg [dreg:$0x0];
	s0 =	srdreg.scid  }
0x2: {  	s2 =	rddreg [dreg:$0x1];
	s1 =	stileid.u32  }
0x3: {  	s3 =	simm.s32 $0x0;
	s19 =	simm.s32 $0x100;
	s8 =	smul.u32 $0x280, s1  }
0x4: {  	s20 =	simm.s32 $0x2;
	s21 =	simm.s32 $0x80;
	s10 =	smul.u32 $0x50000, s1  }
0x5: {  	s22 =	simm.s32 $0x1;
	s6 =	sand.u32 $0x1, s0;
	s18 =	smul.u32 $0x4F0, s1  }
0x6: {  	s23 =	simm.s32 $0x0;
	s0 =	rddreg [dreg:$0x2];
	s5 =	smul.u32 $0x4F00, s6  }
0x7: {  	[smem:$0x7FF] =	sst s3;
	s4 =	sadd.s32 $0x66E00, s7;
	s9 =	smul.u32 $0x2800, s6  }
0x8: {  	_ =	strace $0x8000004D;
	s29 =	ssub.s32 $0x2, s6;
	s30 =	sshrl.u32 s10, $0x2  }
0x9: {  	s31 =	sshrl.u32 s29, $0x1;
	s15 =	sadd.s32 s5, s7;
	s5 =	sadd.s32 $0x18200, s7  }
0xa: {  	s8 =	sadd.s32 s8, s9;
	s6 =	sadd.s32 s30, s2;
	s17 =	ssub.s32 s29, s31  }
0xb: {  	s8 =	sshll.u32 s8, $0x4;
	s9 =	sadd.s32 $0xC000, s6;
	s10 =	sadd.s32 $0x10000, s6  }
0xc: {  	s18 =	sadd.s32 s18, s15;
	s16 =	sadd.s32 s8, s7;
	s7 =	sadd.s32 $0x4000, s6  }
0xd: {  	s8 =	sadd.s32 $0x8000, s6;
	s11 =	sadd.s32 $0x8E000, s16;
	s12 =	sadd.s32 $0x8E800, s16  }
0xe: {  	s13 =	sadd.s32 $0x8F000, s16;
	s14 =	sadd.s32 $0x8F800, s16;
	s15 =	sadd.s32 $0x90000, s16  }
0xf: {  	s16 =	smax.u32 s17, $0x1;
	s17 =	sadd.s32 $0xE400, s18;
	s18 =	sadd.s32 $0x4600, s18  }
.LBB2_1:
0x10: {  	[tilespmem:s19], [sflag:$0x2] =	stream.linear.gather [hbm4b:s5+s3], $0x4000, $0x38;
	[tilespmem:$0x18100] =	vst v63  }
0x11: {  	_ =	swait.ge [sflag:s20], $0x4000  }
0x12: {  	[sflag:s20] =	ssyncset.done $0x0  }
0x13: {  	[sflag:s20] =	ssyncadd.s32 $0xFFFFC000  }
0x14: {  	[spmem:s6] =	stream.linear.scatter [tilespmem:s19], [sflag:$0x2], $0x4000, $0x38;
	[tilespmem:$0x18100] =	vst v63  }
0x15: {  	_ =	swait.ge [sflag:s20], $0x4000  }
0x16: {  	[sflag:s20] =	ssyncset.done $0x0  }
0x17: {  	[sflag:s20] =	ssyncadd.s32 $0xFFFFC000  }
0x18: {  	[spmem:s7] =	stream.linear.scatter [tilespmem:s19], [sflag:$0x2], $0x4000, $0x38;
	[tilespmem:$0x18100] =	vst v63  }
0x19: {  	_ =	swait.ge [sflag:s20], $0x4000  }
0x1a: {  	[sflag:s20] =	ssyncset.done $0x0  }
0x1b: {  	[sflag:s20] =	ssyncadd.s32 $0xFFFFC000  }
0x1c: {  	[spmem:s8] =	stream.linear.scatter [tilespmem:s19], [sflag:$0x2], $0x4000, $0x38;
	[tilespmem:$0x18100] =	vst v63  }
0x1d: {  	_ =	swait.ge [sflag:s20], $0x4000  }
0x1e: {  	[sflag:s20] =	ssyncset.done $0x0  }
0x1f: {  	[sflag:s20] =	ssyncadd.s32 $0xFFFFC000  }
0x20: {  	[spmem:s9] =	stream.linear.scatter [tilespmem:s19], [sflag:$0x2], $0x4000, $0x38;
	[tilespmem:$0x18100] =	vst v63  }
0x21: {  	_ =	swait.ge [sflag:s20], $0x4000  }
0x22: {  	[sflag:s20] =	ssyncset.done $0x0  }
0x23: {  	[sflag:s20] =	ssyncadd.s32 $0xFFFFC000  }
0x24: {  	[spmem:s10] =	stream.linear.scatter [tilespmem:s19], [sflag:$0x2], $0x4000, $0x38;
	[tilespmem:$0x18100] =	vst v63  }
0x25: {  	_ =	swait.ge [sflag:s20], $0x4000  }
0x26: {  	[sflag:s20] =	ssyncset.done $0x0  }
0x27: {  	[sflag:s20] =	ssyncadd.s32 $0xFFFFC000  }
0x28: {  	s24 =	sadd.s32 $0x0, s18;
	[bflag:$0x0] =	sbarrier.arrive $0xFFFF  }
0x29: {  	[tilespmem:s3], [sflag:$0x2] =	stream.linear.gather [hbm4b:s24+s3], $0x80, $0x38;
	[tilespmem:$0x18100] =	vst v63  }
0x2a: {  	_ =	swait.ge [sflag:s20], $0x80  }
0x2b: {  	[sflag:s20] =	ssyncset.done $0x0  }
0x2c: {  	s31 =	sadd.s32 $0x0, s17;
	[sflag:s20] =	ssyncadd.s32 $0xFFFFFF80  }
0x2d: {  	[tilespmem:s21], [sflag:$0x2] =	stream.linear.gather [hbm4b:s31+s3], $0x80, $0x38;
	[tilespmem:$0x18100] =	vst v63  }
0x2e: {  	_ =	swait.ge [sflag:s20], $0x80  }
0x2f: {  	[sflag:s20] =	ssyncset.done $0x0  }
0x30: {  	[sflag:s20] =	ssyncadd.s32 $0xFFFFFF80  }
0x31: {  	[tilespmem:s19], [sflag:$0x1] =	stream.indirect.gather [hbm4b:s4+s21], $0x80, s3, s21, $0xb8;
	[tilespmem:$0x18100] =	vst v63  }
0x32: {  	_ =	swait.ge [sflag:s22], $0x4000  }
0x33: {  	[sflag:s22] =	ssyncset.done $0x0  }
0x34: {  	[sflag:s22] =	ssyncadd.s32 $0xFFFFC000  }
0x35: {  	[spmem:s2] =	stream.indirect.scatter.add.f32 [tilespmem:s19], [sflag:$0x2], $0x80, s21, s21, $0xb8;
	[tilespmem:$0x18100] =	vst v63  }
0x36: {  	_ =	swait.ge [sflag:s20], $0x4000  }
0x37: {  	s25 =	simm.s32 $0x20;
	s24 =	simm.s32 $0x10;
	[sflag:s20] =	ssyncset.done $0x0  }
.LBB2_2:
0x38: {  	s26 =	sadd.s32 s24, s18  }
0x39: {  	[sflag:s20] =	ssyncadd.s32 $0xFFFFC000;
	s28 =	smov.u32 s25;
	s29 =	sadd.s32 $0x10, s25  }
0x3a: {  	[tilespmem:s3], [sflag:$0x2] =	stream.linear.gather [hbm4b:s26+s3], $0x80, $0x38;
	[tilespmem:$0x18100] =	vst v63  }
0x3b: {  	p0 =	sne.s32 s25, $0x4E0;
	_ =	swait.ge [sflag:s20], $0x80  }
0x3c: {  	[sflag:s20] =	ssyncset.done $0x0  }
0x3d: {  	s25 =	sadd.s32 s24, s17;
	s24 =	smov.u32 s28;
	[sflag:s20] =	ssyncadd.s32 $0xFFFFFF80  }
0x3e: {  	[tilespmem:s21], [sflag:$0x2] =	stream.linear.gather [hbm4b:s25+s3], $0x80, $0x38;
	[tilespmem:$0x18100] =	vst v63  }
0x3f: {  	_ =	swait.ge [sflag:s20], $0x80  }
0x40: {  	[sflag:s20] =	ssyncset.done $0x0  }
0x41: {  	[sflag:s20] =	ssyncadd.s32 $0xFFFFFF80  }
0x42: {  	[tilespmem:s19], [sflag:$0x1] =	stream.indirect.gather [hbm4b:s4+s21], $0x80, s3, s21, $0xb8;
	[tilespmem:$0x18100] =	vst v63  }
0x43: {  	_ =	swait.ge [sflag:s22], $0x4000  }
.Ltmp0:
0x44: {  	[sflag:s22] =	ssyncset.done $0x0;
	(pc) =	sbr.rel @p0 .LBB2_2-.Ltmp0, $4  }
0x45: {  	[sflag:s22] =	ssyncadd.s32 $0xFFFFC000  }
0x46: {  	[spmem:s2] =	stream.indirect.scatter.add.f32 [tilespmem:s19], [sflag:$0x2], $0x80, s21, s21, $0xb8;
	[tilespmem:$0x18100] =	vst v63  }
0x47: {  	_ =	swait.ge [sflag:s20], $0x4000  }
0x48: {  	s25 =	smov.u32 s29;
	[sflag:s20] =	ssyncset.done $0x0  }
0x49: {  	s25 =	sadd.s32 s24, s18;
	[sflag:s20] =	ssyncadd.s32 $0xFFFFC000  }
0x4a: {  	[tilespmem:s3], [sflag:$0x2] =	stream.linear.gather [hbm4b:s25+s3], $0x80, $0x38;
	[tilespmem:$0x18100] =	vst v63  }
0x4b: {  	_ =	swait.ge [sflag:s20], $0x80  }
0x4c: {  	[sflag:s20] =	ssyncset.done $0x0  }
0x4d: {  	s31 =	sadd.s32 s24, s17;
	[sflag:s20] =	ssyncadd.s32 $0xFFFFFF80  }
0x4e: {  	[tilespmem:s21], [sflag:$0x2] =	stream.linear.gather [hbm4b:s31+s3], $0x80, $0x38;
	[tilespmem:$0x18100] =	vst v63  }
0x4f: {  	_ =	swait.ge [sflag:s20], $0x80  }
0x50: {  	[sflag:s20] =	ssyncset.done $0x0  }
0x51: {  	[sflag:s20] =	ssyncadd.s32 $0xFFFFFF80  }
0x52: {  	[tilespmem:s19], [sflag:$0x1] =	stream.indirect.gather [hbm4b:s4+s21], $0x80, s3, s21, $0xb8;
	[tilespmem:$0x18100] =	vst v63  }
0x53: {  	_ =	swait.ge [sflag:s22], $0x4000  }
0x54: {  	[sflag:s22] =	ssyncset.done $0x0  }
0x55: {  	[sflag:s22] =	ssyncadd.s32 $0xFFFFC000  }
0x56: {  	[spmem:s2] =	stream.indirect.scatter.add.f32 [tilespmem:s19], [sflag:$0x2], $0x80, s21, s21, $0xb8;
	[tilespmem:$0x18100] =	vst v63  }
0x57: {  	_ =	swait.ge [sflag:s20], $0x4000  }
0x58: {  	[sflag:s20] =	ssyncset.done $0x0  }
0x59: {  	[sflag:s20] =	ssyncadd.s32 $0xFFFFC000  }
0x5a: {  	[bflag:$0x0] =	sbarrier.arrive $0xFFFF  }
0x5b: {  	[tilespmem:s19], [sflag:$0x2] =	stream.linear.gather [spmem:s6], $0x4000, $0x38;
	[tilespmem:$0x18100] =	vst v63  }
0x5c: {  	_ =	swait.ge [sflag:s20], $0x4000  }
0x5d: {  	[sflag:s20] =	ssyncset.done $0x0  }
0x5e: {  	[sflag:s20] =	ssyncadd.s32 $0xFFFFC000  }
0x5f: {  	[hbm4b:s11+s3] =	stream.linear.scatter [tilespmem:s19], [sflag:$0x2], $0x4000, $0x38;
	[tilespmem:$0x18100] =	vst v63  }
0x60: {  	_ =	swait.ge [sflag:s20], $0x4000  }
0x61: {  	[sflag:s20] =	ssyncset.done $0x0  }
0x62: {  	[sflag:s20] =	ssyncadd.s32 $0xFFFFC000  }
0x63: {  	[tilespmem:s19], [sflag:$0x2] =	stream.linear.gather [spmem:s7], $0x4000, $0x38;
	[tilespmem:$0x18100] =	vst v63  }
0x64: {  	_ =	swait.ge [sflag:s20], $0x4000  }
0x65: {  	[sflag:s20] =	ssyncset.done $0x0  }
0x66: {  	[sflag:s20] =	ssyncadd.s32 $0xFFFFC000  }
0x67: {  	[hbm4b:s12+s3] =	stream.linear.scatter [tilespmem:s19], [sflag:$0x2], $0x4000, $0x38;
	[tilespmem:$0x18100] =	vst v63  }
0x68: {  	_ =	swait.ge [sflag:s20], $0x4000  }
0x69: {  	[sflag:s20] =	ssyncset.done $0x0  }
0x6a: {  	[sflag:s20] =	ssyncadd.s32 $0xFFFFC000  }
0x6b: {  	[tilespmem:s19], [sflag:$0x2] =	stream.linear.gather [spmem:s8], $0x4000, $0x38;
	[tilespmem:$0x18100] =	vst v63  }
0x6c: {  	_ =	swait.ge [sflag:s20], $0x4000  }
0x6d: {  	[sflag:s20] =	ssyncset.done $0x0  }
0x6e: {  	[sflag:s20] =	ssyncadd.s32 $0xFFFFC000  }
0x6f: {  	[hbm4b:s13+s3] =	stream.linear.scatter [tilespmem:s19], [sflag:$0x2], $0x4000, $0x38;
	[tilespmem:$0x18100] =	vst v63  }
0x70: {  	_ =	swait.ge [sflag:s20], $0x4000  }
0x71: {  	[sflag:s20] =	ssyncset.done $0x0  }
0x72: {  	[sflag:s20] =	ssyncadd.s32 $0xFFFFC000  }
0x73: {  	[tilespmem:s19], [sflag:$0x2] =	stream.linear.gather [spmem:s9], $0x4000, $0x38;
	[tilespmem:$0x18100] =	vst v63  }
0x74: {  	_ =	swait.ge [sflag:s20], $0x4000  }
0x75: {  	[sflag:s20] =	ssyncset.done $0x0  }
0x76: {  	[sflag:s20] =	ssyncadd.s32 $0xFFFFC000  }
0x77: {  	[hbm4b:s14+s3] =	stream.linear.scatter [tilespmem:s19], [sflag:$0x2], $0x4000, $0x38;
	[tilespmem:$0x18100] =	vst v63  }
0x78: {  	_ =	swait.ge [sflag:s20], $0x4000  }
0x79: {  	[sflag:s20] =	ssyncset.done $0x0  }
0x7a: {  	[sflag:s20] =	ssyncadd.s32 $0xFFFFC000  }
0x7b: {  	[tilespmem:s19], [sflag:$0x2] =	stream.linear.gather [spmem:s10], $0x4000, $0x38;
	[tilespmem:$0x18100] =	vst v63  }
0x7c: {  	s23 =	sadd.s32 $0x1, s23;
	_ =	swait.ge [sflag:s20], $0x4000  }
0x7d: {  	p0 =	sne.s32 s23, s16;
	[sflag:s20] =	ssyncset.done $0x0  }
.Ltmp1:
0x7e: {  	[sflag:s20] =	ssyncadd.s32 $0xFFFFC000;
	(pc) =	sbr.rel @p0 .LBB2_1-.Ltmp1, $4  }
0x7f: {  	[hbm4b:s15+s3] =	stream.linear.scatter [tilespmem:s19], [sflag:$0x2], $0x4000, $0x38;
	[tilespmem:$0x18100] =	vst v63  }
0x80: {  	_ =	swait.ge [sflag:s20], $0x4000  }
0x81: {  	[sflag:s20] =	ssyncset.done $0x0  }
0x82: {  	[sflag:s20] =	ssyncadd.s32 $0xFFFFC000  }
0x83: {  	_ =	sfence.sel $0x180000  }
0x84: {  	[bflag:$0x0] =	sbarrier.arrive $0xFFFF  }
0x85: {  	p0 =	sne.s32 s1, $0x0;
	_ =	strace $0x9000004D  }
0x86: {  	s0 =	sadd.s32 @!p0 $0x100000, s0;
	[bflag:$0x2] =	sbarrier.arrive $0xFFFF  }
0x87: {  	[sflag:s0] =	ssyncadd.tile.s32 @!p0 $0x1;
	_ =	shalt  }
.Lfunc_end2:
_tile_overlayer_lowered:
.L_overlay_start_2:
0x88: {  	(tag) =	ssettag $0x2  }
0x89: {  	s0 =	rddreg [dreg:$0x0];
	s2 =	stileid.u32  }
0x8a: {  	s1 =	rddreg [dreg:$0x1];
	p0 =	sne.s32 s2, $0x0  }
0x8b: {  	s3 =	rddreg [dreg:$0x2];
	[bflag:$0x3] =	sbarrier.arrive $0xFFFF;
	s2 =	simm.s32 @!p0 $0x1C02  }
0x8c: {  	[timem:s3], [sflag:s2] =	dma.local @!p0 [hbm:s0], s1  }
0x8d: {  	s0 =	simm.s32 @!p0 $0x2  }
0x8e: {  	_ =	swait.ge @!p0 [sflag:s0], s1  }
0x8f: {  	s1 =	ssub.s32 @!p0 $0x0, s1;
	[sflag:s0] =	ssyncset.done @!p0 $0x0  }
0x90: {  	[sflag:s0] =	ssyncadd.s32 @!p0 s1  }
0x91: {  	[bflag:$0x3] =	sbarrier.arrive $0xFFFF  }
0x92: {  	_ =	shalt  }

// kernel: sc_edge_cnt.3.cloned.1.call-start
scs
__scs_entry_jumppad:
0x0: {  	(pc) =	sbr.rel $0x88, $3  }
0x1: {  	(tag) =	ssettag $0x0;
	lr =	simm.s32 $0x1  }
0x2: {  	[smem:$0x3F91] =	sst lr;
	_ =	strace $0xD0000000  }
0x3: {  	_ = 	snop  }
0x4: {  	_ = 	snop  }
0x5: {  	_ = 	snop  }
0x6: {  	_ = 	snop  }
0x7: {  	_ = 	snop  }
__scs_overlays_trampoline_lowered:
0x8: {  	[smem:$0x3FA0] =	sst s0  }
0x9: {  	[smem:$0x3FA1] =	sst s1  }
0xa: {  	[smem:$0x3FA2] =	sst s2  }
0xb: {  	[smem:$0x3FA3] =	sst s3  }
0xc: {  	[smem:$0x3FA4] =	sst s4  }
0xd: {  	[smem:$0x3FA5] =	sst s5  }
0xe: {  	[smem:$0x3FA6] =	sst s6  }
0xf: {  	[smem:$0x3FA7] =	sst s7  }
0x10: {  	[smem:$0x3FA8] =	sst s8  }
0x11: {  	[smem:$0x3FA9] =	sst s9;
	s0 =	simm.s32 @!p0 $0x0  }
0x12: {  	s1 =	sld [smem:$0x3F8F];
	s0 =	simm.s32 @p0 $0x1  }
0x13: {  	[smem:$0x3FAA] =	sst s0;
	s0 =	simm.s32 @!p1 $0x0  }
0x14: {  	s2 =	sld [smem:$0x3F8E];
	s0 =	simm.s32 @p1 $0x1  }
0x15: {  	[smem:$0x3FAB] =	sst s0;
	s0 =	simm.s32 @!p2 $0x0  }
0x16: {  	s3 =	sld [smem:$0x3FDB];
	s0 =	simm.s32 @p2 $0x1  }
0x17: {  	s4 =	simm.s32 $0x1BF5;
	[smem:$0x3FAD] =	sst s0  }
0x18: {  	s0 =	sld [smem:$0x3F90];
	_ =	swait.ge [sflag:s4], $0x0  }
0x19: {  	s7 =	sld [smem:$0x3F91]  }
0x1a: {  	s8 =	sadd.s32 $0xFFFFE003, lr  }
0x1b: {  	s9 =	sadd.s32 $0xFFFFFEF7, lr;
	s5 =	simm.s32 $0xFFFFFFFF;
	p2 =	slt.u32 s8, $0xFFFFF086  }
0x1c: {  	p1 =	slt.u32 s9, $0xF7A;
	s5 =	simm.s32 @!p2 $0x0  }
0x1d: {  	s5 =	simm.s32 @p1 $0x1;
	p0 =	seq.s32 s7, s2  }
0x1e: {  	s7 =	smul.u32 @!p0 $0xF7A, s2;
	p2 =	seq.s32 @!p0 s5, $0x0  }
0x1f: {  	s9 =	smul.u32 $0xF7A, s1;
	s8 =	simm.s32 @!p0 $0x1BF5;
	p2 =	por !p2, p0  }
0x20: {  	[sflag:s8] =	ssyncset.s32 @!p0 $0xFFFFF086;
	s6 =	sadd.s32 @!p0 s3, s7;
	s7 =	simm.s32 @!p0 $0x108  }
0x21: {  	s3 =	sadd.s32 s3, s9;
	s6 =	sadd.s32 @!p0 $0x88, s6;
	s7 =	simm.s32 @p2 $0x1082  }
0x22: {  	[simem:s7], [sflag:s8] =	dma.local @!p0 [hbm:s6], $0xF7A  }
0x23: {  	s9 =	sor.u32 $0xD0000000, s2;
	s6 =	simm.s32 $0x108;
	_ =	swait.ge @!p0 [sflag:s8], $0x0  }
0x24: {  	s3 =	sadd.s32 $0x88, s3;
	s6 =	simm.s32 @!p1 $0x1082;
	[sflag:s4] =	ssyncset.s32 $0xFFFFF086  }
0x25: {  	[simem:s6], [sflag:s4] =	dma.local [hbm:s3], $0xF7A  }
0x26: {  	[smem:$0x3F91] =	sst s1;
	(tag) =	ssettag s2;
	_ =	strace s9  }
0x27: {  	s1 =	sld [smem:$0x3FA1]  }
0x28: {  	s2 =	sld [smem:$0x3FA2]  }
0x29: {  	s4 =	sld [smem:$0x3FA4]  }
0x2a: {  	p0 =	seq.s32 s5, $0x0;
	s5 =	sld [smem:$0x3FA5]  }
0x2b: {  	s6 =	sld [smem:$0x3FA6]  }
0x2c: {  	s7 =	sld [smem:$0x3FA7]  }
0x2d: {  	s3 =	simm.s32 $0x108;
	s8 =	sld [smem:$0x3FA8]  }
0x2e: {  	s3 =	simm.s32 @!p0 $0x1082;
	s9 =	sld [smem:$0x3FA9]  }
0x2f: {  	lr =	sadd.s32 s0, s3;
	s0 =	sld [smem:$0x3FA0]  }
0x30: {  	s3 =	sld [smem:$0x3FA3]  }
0x31: {  	[smem:$0x3FAC] =	sst s10  }
0x32: {  	s10 =	sld [smem:$0x3FAA];
	_ =	sdelay $0x3  }
0x33: {  	p0 =	seq.s32 s10, $0x1;
	s10 =	sld [smem:$0x3FAC];
	_ =	sdelay $0x3  }
0x34: {  	[smem:$0x3FAC] =	sst s10  }
0x35: {  	s10 =	sld [smem:$0x3FAB];
	_ =	sdelay $0x3  }
0x36: {  	p1 =	seq.s32 s10, $0x1;
	s10 =	sld [smem:$0x3FAC];
	_ =	sdelay $0x3  }
0x37: {  	[smem:$0x3FAC] =	sst s10  }
0x38: {  	s10 =	sld [smem:$0x3FAD]  }
0x39: {  	_ = 	snop;
	(pc) =	sbr.ind lr, $3  }
0x3a: {  	_ = 	snop  }
0x3b: {  	_ = 	snop  }
0x3c: {  	p2 =	seq.s32 s10, $0x1;
	s10 =	sld [smem:$0x3FAC]  }
0x3d: {  	_ =	shalt  }
0x3e: {  	_ =	shalt  }
0x3f: {  	_ =	shalt  }
0x40: {  	_ =	shalt  }
0x41: {  	_ =	shalt  }
0x42: {  	_ =	shalt  }
0x43: {  	_ =	shalt  }
0x44: {  	_ =	shalt  }
0x45: {  	_ =	shalt  }
0x46: {  	_ =	shalt  }
0x47: {  	_ =	shalt  }
0x48: {  	_ =	shalt  }
0x49: {  	_ =	shalt  }
0x4a: {  	_ =	shalt  }
0x4b: {  	_ =	shalt  }
0x4c: {  	_ =	shalt  }
0x4d: {  	_ =	shalt  }
0x4e: {  	_ =	shalt  }
0x4f: {  	_ =	shalt  }
0x50: {  	_ =	shalt  }
0x51: {  	_ =	shalt  }
0x52: {  	_ =	shalt  }
0x53: {  	_ =	shalt  }
0x54: {  	_ =	shalt  }
0x55: {  	_ =	shalt  }
0x56: {  	_ =	shalt  }
0x57: {  	_ =	shalt  }
0x58: {  	_ =	shalt  }
0x59: {  	_ =	shalt  }
0x5a: {  	_ =	shalt  }
0x5b: {  	_ =	shalt  }
0x5c: {  	_ =	shalt  }
0x5d: {  	_ =	shalt  }
0x5e: {  	_ =	shalt  }
0x5f: {  	_ =	shalt  }
0x60: {  	_ =	shalt  }
0x61: {  	_ =	shalt  }
0x62: {  	_ =	shalt  }
0x63: {  	_ =	shalt  }
0x64: {  	_ =	shalt  }
0x65: {  	_ =	shalt  }
0x66: {  	_ =	shalt  }
0x67: {  	_ =	shalt  }
0x68: {  	_ =	shalt  }
0x69: {  	_ =	shalt  }
0x6a: {  	_ =	shalt  }
0x6b: {  	_ =	shalt  }
0x6c: {  	_ =	shalt  }
0x6d: {  	_ =	shalt  }
0x6e: {  	_ =	shalt  }
0x6f: {  	_ =	shalt  }
0x70: {  	_ =	shalt  }
0x71: {  	_ =	shalt  }
0x72: {  	_ =	shalt  }
0x73: {  	_ =	shalt  }
0x74: {  	_ =	shalt  }
0x75: {  	_ =	shalt  }
0x76: {  	_ =	shalt  }
0x77: {  	_ =	shalt  }
0x78: {  	_ =	shalt  }
0x79: {  	_ =	shalt  }
0x7a: {  	_ =	shalt  }
0x7b: {  	_ =	shalt  }
0x7c: {  	_ =	shalt  }
0x7d: {  	_ =	shalt  }
0x7e: {  	_ =	shalt  }
0x7f: {  	_ =	shalt  }
0x80: {  	_ =	shalt  }
0x81: {  	_ =	shalt  }
0x82: {  	_ =	shalt  }
0x83: {  	_ =	shalt  }
0x84: {  	_ =	shalt  }
0x85: {  	_ =	shalt  }
0x86: {  	_ =	shalt  }
0x87: {  	_ =	shalt  }
.Lfunc_end0:
.L_simem_size_0:
called_computation.1_lowered:
.L_overlay_start_0:
0x88: {  	s2 =	sld [smem:$0x3FD9]  }
0x89: {  	s3 =	sld [smem:$0x3FFE];
	_ =	sdelay $0x1  }
0x8a: {  	s1 =	srdreg.scid  }
0x8b: {  	s0 =	sand.u32 $0x1, s1  }
0x8c: {  	s17 =	sshll.u32 s0, $0xA;
	s2 =	sadd.s32 s3, s2  }
0x8d: {  	s2 =	sadd.s32 s2, s17  }
0x8e: {  	[smem:$0x3FB8] =	sst s2  }
0x8f: {  	_ = 	snop  }
0x90: {  	(tm) =	ssettm $0x1  }
0x91: {  	s18 =	sld [smem:$0x3FFB];
	_ =	sdelay $0x3  }
0x92: {  	_ =	strace s18  }
0x93: {  	s2 =	sld [smem:$0x3FFC];
	_ =	sdelay $0x3  }
0x94: {  	_ =	strace s2  }
0x95: {  	s2 =	sld [smem:$0x3FFD];
	_ =	sdelay $0x3  }
0x96: {  	_ =	strace s2  }
0x97: {  	_ =	strace $0x8FFFFFFF  }
0x98: {  	s19 =	sld [smem:$0x3FDB];
	_ =	sdelay $0x1  }
0x99: {  	s20 =	simm.s32 $_scs_section_size  }
0x9a: {  	s4 =	simm.s32 $_size__tile_overlayer_lowered;
	s5 =	simm.s32 $_tile_overlayer_lowered  }
0x9b: {  	s6 =	simm.s32 $0x1BFF;
	s21 =	sshll.u32 s5, $0x1;
	s3 =	sadd.s32 s20, s19  }
0x9c: {  	s22 =	simm.s32 $0x0;
	s4 =	sshll.u32 s4, $0x1;
	s5 =	sadd.s32 s21, s3  }
0x9d: {  	[timem:s22], [sflag:s6] =	dma.local [hbm:s5], s4  }
0x9e: {  	_ =	swait.ge [sflag:s6], s4  }
0x9f: {  	s4 =	ssub.s32 $0x0, s4;
	[sflag:s6] =	ssyncset.done $0x0  }
0xa0: {  	[sflag:s6] =	ssyncadd.s32 s4;
	_ =	sdelay $0x1  }
0xa1: {  	s23 =	simm.s32 $0x1B8B  }
0xa2: {  	_ =	swait.ge [sflag:s23], $0x1  }
0xa3: {  	[sflag:s23] =	ssyncset.done $0x0  }
0xa4: {  	[sflag:s23] =	ssyncadd.s32 $0xFFFFFFFF  }
0xa5: {  	s4 =	sld [smem:$0x0]  }
0xa6: {  	s5 =	sand.u32 $0xFFFFFFFE, s1  }
0xa7: {  	p0 =	sne.s32 s1, s5  }
0xa8: {  	s5 =	sshll.u32 @p0 s5, $0xE  }
0xa9: {  	s5 =	sadd.s32 @p0 $0x11B8D, s5;
	s6 =	sshll.u32 @p0 s4, $0x11  }
0xaa: {  	s5 =	sor.u32 @p0 s6, s5  }
0xab: {  	[sflag:s5] =	ssyncadd.remote.s32 @p0 $0x1;
	_ =	sdelay $0x1  }
0xac: {  	s5 =	simm.s32 @p0 $0x1B8D  }
0xad: {  	_ =	swait.eq @p0 [sflag:s5], $0x1  }
0xae: {  	[sflag:s5] =	ssyncadd.s32 @p0 $0xFFFFFFFF  }
0xaf: {  	s6 =	sshll.u32 @!p0 s1, $0xE  }
0xb0: {  	s6 =	sor.u32 @!p0 $0x4000, s6;
	s5 =	simm.s32 @!p0 $0x1B8D  }
0xb1: {  	s4 =	sshll.u32 @!p0 s4, $0x11;
	s6 =	sadd.s32 @!p0 $0x11B8D, s6;
	_ =	swait.eq @!p0 [sflag:s5], $0x1  }
0xb2: {  	s4 =	sor.u32 @!p0 s4, s6;
	[sflag:s5] =	ssyncadd.s32 @!p0 $0xFFFFFFFF  }
0xb3: {  	s25 =	simm.s32 $0x1B8E;
	s24 =	sld [smem:$0x3FFE];
	[sflag:s4] =	ssyncadd.remote.s32 @!p0 $0x1  }
0xb4: {  	s26 =	simm.s32 $execute0_lowered;
	[smem:$0x3FD2] =	sst s25  }
0xb5: {  	s5 =	sshll.u32 s26, $0x1;
	_ =	strace $0x80000049;
	[dreg:$0x1] =	wrdreg $0xFFFFFFFF  }
0xb6: {  	s28 =	simm.s32 $_size_execute0_lowered;
	s3 =	sadd.s32 s3, s5;
	[dreg:$0x0] =	wrdreg $0x0  }
0xb7: {  	s5 =	sshll.u32 s28, $0x1;
	[dreg:$0x2] =	wrdreg s3  }
0xb8: {  	[dreg:$0x3] =	wrdreg s5  }
0xb9: {  	[dreg:$0x4] =	wrdreg $0xC0  }
0xba: {  	_ =	task [dreg:s22], $0x5FFFF  }
0xbb: {  	[dreg:$0x1] =	wrdreg $0xFFFFFFFF  }
0xbc: {  	[dreg:$0x0] =	wrdreg $0x60  }
0xbd: {  	[dreg:$0x2] =	wrdreg s24  }
0xbe: {  	[dreg:$0x3] =	wrdreg $0x80800  }
0xbf: {  	[dreg:$0x4] =	wrdreg $0xA  }
0xc0: {  	_ =	task.clear_ibuf [dreg:s22], $0x5FFFF;
	_ =	strace $0x90000049  }
0xc1: {  	s29 =	simm.s32 $0xA;
	_ =	strace $0x8000004B  }
0xc2: {  	_ =	swait.ge [sflag:s29], $0x1  }
0xc3: {  	[sflag:s29] =	ssyncadd.s32 $0xFFFFFFFF  }
0xc4: {  	_ =	strace $0x9000004B  }
0xc5: {  	_ =	sfence  }
0xc6: {  	s30 =	sld [smem:$0x0];
	_ =	sdelay $0x2  }
0xc7: {  	s31 =	sshll.u32 s1, $0xD;
	s1 =	sshrl.u32 s1, $0x2  }
0xc8: {  	s4 =	sand.u32 $0x4000, s31;
	s1 =	sadd.s32 s1, s30  }
0xc9: {  	s0 =	sor.u32 s4, s0;
	s1 =	sshll.u32 s1, $0x11  }
0xca: {  	s0 =	sor.u32 s1, s0  }
0xcb: {  	s0 =	sadd.s32 $0x8F2B, s0  }
0xcc: {  	[sflag:s0] =	ssyncadd.remote.s32 $0x1  }
0xcd: {  	_ =	sfence.sel $0xFFFF  }
0xce: {  	[dreg:$0x0] =	wrdreg $0xFFFFFFFF;
	(pc) =	sbr.abs _section_cstart, $3  }
0xcf: {  	[dreg:$0x1] =	wrdreg $0xFFFFFFFF  }
0xd0: {  	_ =	task.clear_ibuf [dreg:s22], $0x2FFFF;
	_ =	strace $0x9FFFFFFF  }
0xd1: {  	(tm) =	ssettm $0x7FFFFFFF  }
tec
execute0_lowered:
.L_overlay_start_1:
0x0: {  	(tag) =	ssettag $0x1  }
0x1: {  	s6 =	rddreg [dreg:$0x0]  }
0x2: {  	s0 =	srdreg.scid;
	s1 =	stileid.u32  }
0x3: {  	s2 =	rddreg [dreg:$0x1];
	s7 =	smul.u32 $0x280, s1  }
0x4: {  	s3 =	simm.s32 $0x0;
	s19 =	simm.s32 $0x1;
	s9 =	smul.u32 $0x50000, s1  }
0x5: {  	s20 =	simm.s32 $0x80;
	s5 =	sand.u32 $0x1, s0;
	s18 =	smul.u32 $0x4F0, s1  }
0x6: {  	s21 =	simm.s32 $0x0;
	s0 =	rddreg [dreg:$0x2];
	s4 =	smul.u32 $0x4F00, s5  }
0x7: {  	[smem:$0x7FF] =	sst s3;
	s8 =	smul.u32 $0x2800, s5;
	s5 =	ssub.s32 $0x2, s5  }
0x8: {  	_ =	strace $0x8000004A;
	s31 =	sshrl.u32 s5, $0x1;
	s9 =	sshrl.u32 s9, $0x2  }
0x9: {  	s16 =	sadd.s32 s4, s6;
	s4 =	sadd.s32 $0x68A00, s6;
	s7 =	sadd.s32 s7, s8  }
0xa: {  	s17 =	ssub.s32 s5, s31;
	s5 =	sadd.s32 s9, s2;
	s7 =	sshll.u32 s7, $0x4  }
0xb: {  	s8 =	sadd.s32 $0x8000, s5;
	s9 =	sadd.s32 $0xC000, s5;
	s10 =	sadd.s32 $0x10000, s5  }
0xc: {  	s18 =	sadd.s32 s18, s16;
	s16 =	smax.u32 s17, $0x1;
	s15 =	sadd.s32 s7, s6  }
0xd: {  	s6 =	sadd.s32 $0x69200, s6;
	s7 =	sadd.s32 $0x4000, s5;
	s17 =	sadd.s32 $0xE400, s18  }
0xe: {  	s18 =	simm.s32 $0x4080;
	s11 =	sadd.s32 $0x69A00, s15;
	s12 =	sadd.s32 $0x6A200, s15  }
0xf: {  	s13 =	sadd.s32 $0x6AA00, s15;
	s14 =	sadd.s32 $0x6B200, s15;
	s15 =	sadd.s32 $0x6BA00, s15  }
.LBB2_1:
0x10: {  	[tilespmem:s18], [sflag:$0x1] =	stream.linear.gather [hbm4b:s6+s3], $0x4000, $0x38;
	[tilespmem:$0xD080] =	vst v63  }
0x11: {  	_ =	swait.ge [sflag:s19], $0x4000  }
0x12: {  	[sflag:s19] =	ssyncset.done $0x0  }
0x13: {  	[sflag:s19] =	ssyncadd.s32 $0xFFFFC000  }
0x14: {  	[spmem:s5] =	stream.linear.scatter [tilespmem:s18], [sflag:$0x1], $0x4000, $0x38;
	[tilespmem:$0xD080] =	vst v63  }
0x15: {  	_ =	swait.ge [sflag:s19], $0x4000  }
0x16: {  	[sflag:s19] =	ssyncset.done $0x0  }
0x17: {  	[sflag:s19] =	ssyncadd.s32 $0xFFFFC000  }
0x18: {  	[spmem:s7] =	stream.linear.scatter [tilespmem:s18], [sflag:$0x1], $0x4000, $0x38;
	[tilespmem:$0xD080] =	vst v63  }
0x19: {  	_ =	swait.ge [sflag:s19], $0x4000  }
0x1a: {  	[sflag:s19] =	ssyncset.done $0x0  }
0x1b: {  	[sflag:s19] =	ssyncadd.s32 $0xFFFFC000  }
0x1c: {  	[spmem:s8] =	stream.linear.scatter [tilespmem:s18], [sflag:$0x1], $0x4000, $0x38;
	[tilespmem:$0xD080] =	vst v63  }
0x1d: {  	_ =	swait.ge [sflag:s19], $0x4000  }
0x1e: {  	[sflag:s19] =	ssyncset.done $0x0  }
0x1f: {  	[sflag:s19] =	ssyncadd.s32 $0xFFFFC000  }
0x20: {  	[spmem:s9] =	stream.linear.scatter [tilespmem:s18], [sflag:$0x1], $0x4000, $0x38;
	[tilespmem:$0xD080] =	vst v63  }
0x21: {  	_ =	swait.ge [sflag:s19], $0x4000  }
0x22: {  	[sflag:s19] =	ssyncset.done $0x0  }
0x23: {  	[sflag:s19] =	ssyncadd.s32 $0xFFFFC000  }
0x24: {  	[spmem:s10] =	stream.linear.scatter [tilespmem:s18], [sflag:$0x1], $0x4000, $0x38;
	[tilespmem:$0xD080] =	vst v63  }
0x25: {  	_ =	swait.ge [sflag:s19], $0x4000  }
0x26: {  	[sflag:s19] =	ssyncset.done $0x0  }
0x27: {  	[sflag:s19] =	ssyncadd.s32 $0xFFFFC000  }
0x28: {  	[tilespmem:s20], [sflag:$0x1] =	stream.linear.gather [hbm4b:s4+s3], $0x4000, $0x38;
	[tilespmem:$0xD080] =	vst v63  }
0x29: {  	_ =	swait.ge [sflag:s19], $0x4000  }
0x2a: {  	[sflag:s19] =	ssyncset.done $0x0  }
0x2b: {  	[sflag:s19] =	ssyncadd.s32 $0xFFFFC000  }
0x2c: {  	s22 =	sadd.s32 $0x0, s17;
	[bflag:$0x0] =	sbarrier.arrive $0xFFFF  }
0x2d: {  	[tilespmem:s3], [sflag:$0x1] =	stream.linear.gather [hbm4b:s22+s3], $0x80, $0x38;
	[tilespmem:$0xD080] =	vst v63  }
0x2e: {  	_ =	swait.ge [sflag:s19], $0x80  }
0x2f: {  	[sflag:s19] =	ssyncset.done $0x0  }
0x30: {  	[sflag:s19] =	ssyncadd.s32 $0xFFFFFF80  }
0x31: {  	[spmem:s2] =	stream.indirect.scatter.add.f32 [tilespmem:s20], [sflag:$0x1], $0x20, s3, s20, $0xb8;
	[tilespmem:$0xD080] =	vst v63  }
0x32: {  	_ =	swait.ge [sflag:s19], $0x1000  }
0x33: {  	s23 =	simm.s32 $0x20;
	s22 =	simm.s32 $0x10;
	[sflag:s19] =	ssyncset.done $0x0  }
.LBB2_2:
0x34: {  	s24 =	sadd.s32 s22, s17  }
0x35: {  	[sflag:s19] =	ssyncadd.s32 $0xFFFFF000;
	s22 =	smov.u32 s23;
	s25 =	sadd.s32 $0x10, s23  }
0x36: {  	[tilespmem:s3], [sflag:$0x1] =	stream.linear.gather [hbm4b:s24+s3], $0x80, $0x38;
	[tilespmem:$0xD080] =	vst v63  }
0x37: {  	p0 =	sne.s32 s23, $0x4E0;
	_ =	swait.ge [sflag:s19], $0x80  }
.Ltmp0:
0x38: {  	[sflag:s19] =	ssyncset.done $0x0;
	(pc) =	sbr.rel @p0 .LBB2_2-.Ltmp0, $4  }
0x39: {  	[sflag:s19] =	ssyncadd.s32 $0xFFFFFF80  }
0x3a: {  	[spmem:s2] =	stream.indirect.scatter.add.f32 [tilespmem:s20], [sflag:$0x1], $0x20, s3, s20, $0xb8;
	[tilespmem:$0xD080] =	vst v63  }
0x3b: {  	_ =	swait.ge [sflag:s19], $0x1000  }
0x3c: {  	s23 =	smov.u32 s25;
	[sflag:s19] =	ssyncset.done $0x0  }
0x3d: {  	s22 =	sadd.s32 s22, s17;
	[sflag:s19] =	ssyncadd.s32 $0xFFFFF000  }
0x3e: {  	[tilespmem:s3], [sflag:$0x1] =	stream.linear.gather [hbm4b:s22+s3], $0x80, $0x38;
	[tilespmem:$0xD080] =	vst v63  }
0x3f: {  	_ =	swait.ge [sflag:s19], $0x80  }
0x40: {  	[sflag:s19] =	ssyncset.done $0x0  }
0x41: {  	[sflag:s19] =	ssyncadd.s32 $0xFFFFFF80  }
0x42: {  	[spmem:s2] =	stream.indirect.scatter.add.f32 [tilespmem:s20], [sflag:$0x1], $0x20, s3, s20, $0xb8;
	[tilespmem:$0xD080] =	vst v63  }
0x43: {  	_ =	swait.ge [sflag:s19], $0x1000  }
0x44: {  	[sflag:s19] =	ssyncset.done $0x0  }
0x45: {  	[sflag:s19] =	ssyncadd.s32 $0xFFFFF000  }
0x46: {  	[bflag:$0x0] =	sbarrier.arrive $0xFFFF  }
0x47: {  	[tilespmem:s18], [sflag:$0x1] =	stream.linear.gather [spmem:s5], $0x4000, $0x38;
	[tilespmem:$0xD080] =	vst v63  }
0x48: {  	_ =	swait.ge [sflag:s19], $0x4000  }
0x49: {  	[sflag:s19] =	ssyncset.done $0x0  }
0x4a: {  	[sflag:s19] =	ssyncadd.s32 $0xFFFFC000  }
0x4b: {  	[hbm4b:s11+s3] =	stream.linear.scatter [tilespmem:s18], [sflag:$0x1], $0x4000, $0x38;
	[tilespmem:$0xD080] =	vst v63  }
0x4c: {  	_ =	swait.ge [sflag:s19], $0x4000  }
0x4d: {  	[sflag:s19] =	ssyncset.done $0x0  }
0x4e: {  	[sflag:s19] =	ssyncadd.s32 $0xFFFFC000  }
0x4f: {  	[tilespmem:s18], [sflag:$0x1] =	stream.linear.gather [spmem:s7], $0x4000, $0x38;
	[tilespmem:$0xD080] =	vst v63  }
0x50: {  	_ =	swait.ge [sflag:s19], $0x4000  }
0x51: {  	[sflag:s19] =	ssyncset.done $0x0  }
0x52: {  	[sflag:s19] =	ssyncadd.s32 $0xFFFFC000  }
0x53: {  	[hbm4b:s12+s3] =	stream.linear.scatter [tilespmem:s18], [sflag:$0x1], $0x4000, $0x38;
	[tilespmem:$0xD080] =	vst v63  }
0x54: {  	_ =	swait.ge [sflag:s19], $0x4000  }
0x55: {  	[sflag:s19] =	ssyncset.done $0x0  }
0x56: {  	[sflag:s19] =	ssyncadd.s32 $0xFFFFC000  }
0x57: {  	[tilespmem:s18], [sflag:$0x1] =	stream.linear.gather [spmem:s8], $0x4000, $0x38;
	[tilespmem:$0xD080] =	vst v63  }
0x58: {  	_ =	swait.ge [sflag:s19], $0x4000  }
0x59: {  	[sflag:s19] =	ssyncset.done $0x0  }
0x5a: {  	[sflag:s19] =	ssyncadd.s32 $0xFFFFC000  }
0x5b: {  	[hbm4b:s13+s3] =	stream.linear.scatter [tilespmem:s18], [sflag:$0x1], $0x4000, $0x38;
	[tilespmem:$0xD080] =	vst v63  }
0x5c: {  	_ =	swait.ge [sflag:s19], $0x4000  }
0x5d: {  	[sflag:s19] =	ssyncset.done $0x0  }
0x5e: {  	[sflag:s19] =	ssyncadd.s32 $0xFFFFC000  }
0x5f: {  	[tilespmem:s18], [sflag:$0x1] =	stream.linear.gather [spmem:s9], $0x4000, $0x38;
	[tilespmem:$0xD080] =	vst v63  }
0x60: {  	_ =	swait.ge [sflag:s19], $0x4000  }
0x61: {  	[sflag:s19] =	ssyncset.done $0x0  }
0x62: {  	[sflag:s19] =	ssyncadd.s32 $0xFFFFC000  }
0x63: {  	[hbm4b:s14+s3] =	stream.linear.scatter [tilespmem:s18], [sflag:$0x1], $0x4000, $0x38;
	[tilespmem:$0xD080] =	vst v63  }
0x64: {  	_ =	swait.ge [sflag:s19], $0x4000  }
0x65: {  	[sflag:s19] =	ssyncset.done $0x0  }
0x66: {  	[sflag:s19] =	ssyncadd.s32 $0xFFFFC000  }
0x67: {  	[tilespmem:s18], [sflag:$0x1] =	stream.linear.gather [spmem:s10], $0x4000, $0x38;
	[tilespmem:$0xD080] =	vst v63  }
0x68: {  	s21 =	sadd.s32 $0x1, s21;
	_ =	swait.ge [sflag:s19], $0x4000  }
0x69: {  	p0 =	sne.s32 s21, s16;
	[sflag:s19] =	ssyncset.done $0x0  }
.Ltmp1:
0x6a: {  	[sflag:s19] =	ssyncadd.s32 $0xFFFFC000;
	(pc) =	sbr.rel @p0 .LBB2_1-.Ltmp1, $4  }
0x6b: {  	[hbm4b:s15+s3] =	stream.linear.scatter [tilespmem:s18], [sflag:$0x1], $0x4000, $0x38;
	[tilespmem:$0xD080] =	vst v63  }
0x6c: {  	_ =	swait.ge [sflag:s19], $0x4000  }
0x6d: {  	[sflag:s19] =	ssyncset.done $0x0  }
0x6e: {  	[sflag:s19] =	ssyncadd.s32 $0xFFFFC000  }
0x6f: {  	_ =	sfence.sel $0x180000  }
0x70: {  	[bflag:$0x0] =	sbarrier.arrive $0xFFFF  }
0x71: {  	p0 =	sne.s32 s1, $0x0;
	_ =	strace $0x9000004A  }
0x72: {  	s0 =	sadd.s32 @!p0 $0x100000, s0;
	[bflag:$0x2] =	sbarrier.arrive $0xFFFF  }
0x73: {  	[sflag:s0] =	ssyncadd.tile.s32 @!p0 $0x1;
	_ =	shalt  }
.Lfunc_end2:
_tile_overlayer_lowered:
.L_overlay_start_2:
0x74: {  	(tag) =	ssettag $0x2  }
0x75: {  	s0 =	rddreg [dreg:$0x0];
	s2 =	stileid.u32  }
0x76: {  	s1 =	rddreg [dreg:$0x1];
	p0 =	sne.s32 s2, $0x0  }
0x77: {  	s3 =	rddreg [dreg:$0x2];
	[bflag:$0x3] =	sbarrier.arrive $0xFFFF;
	s2 =	simm.s32 @!p0 $0x1C01  }
0x78: {  	[timem:s3], [sflag:s2] =	dma.local @!p0 [hbm:s0], s1  }
0x79: {  	s0 =	simm.s32 @!p0 $0x1  }
0x7a: {  	_ =	swait.ge @!p0 [sflag:s0], s1  }
0x7b: {  	s1 =	ssub.s32 @!p0 $0x0, s1;
	[sflag:s0] =	ssyncset.done @!p0 $0x0  }
0x7c: {  	[sflag:s0] =	ssyncadd.s32 @!p0 s1  }
0x7d: {  	[bflag:$0x3] =	sbarrier.arrive $0xFFFF  }
0x7e: {  	_ =	shalt  }

</sc_bundles>
